<compile_context>
chip_gen: v7x
topology: tpu7x:2x2x1
jax: 0.10.2.dev20260603
libtpu: 0.0.44.dev20260713+nightly
codegen_flags: <defaults>
</compile_context>

<pallas_src>
import dataclasses
import functools

import jax
import jax.numpy as jnp
from jax import lax
from jax.experimental import pallas as pl
from jax.experimental.pallas import tpu as pltpu
from jax.experimental.pallas import tpu_sc as plsc

_NC, _NS, _L = 2, 16, 16
_NW = _NC * _NS
_SUB = 4
_CHUNK = 128


def _cdiv(a, b):
    return (a + b - 1) // b


def _sc_params():
    cp = pltpu.CompilerParams()
    if "needs_layout_passes" in pltpu.CompilerParams.__dataclass_fields__:
        cp = dataclasses.replace(cp, needs_layout_passes=False)
    return cp


def _sc_hist(dst_t, lin, NPAD, C0, C1, IG):
    HR = NPAD // 128
    DR = 8
    NDR = HR // DR

    @functools.partial(
        pl.kernel,
        out_type=jax.ShapeDtypeStruct((_NC * HR, 128), jnp.float32),
        mesh=plsc.VectorSubcoreMesh(core_axis_name="c", subcore_axis_name="s"),
        scratch_types=[
            pltpu.VMEM((IG, _CHUNK), jnp.int32),
            pltpu.VMEM((HR, 128), jnp.float32),
            pltpu.VMEM((1, HR), jnp.int32),
            pltpu.VMEM_SHARED((HR, 128), jnp.float32),
        ],
        compiler_params=_sc_params(),
    )
    def hist_kernel(dst_hbm, lin_hbm, deg_hbm, idx_v, hist_v, lin_v, sh_hist):
        cid = lax.axis_index("c")
        sid = lax.axis_index("s")
        base = jnp.where(cid == 0, sid * C0, _NS * C0 + sid * C1)
        ngrp = jnp.where(cid == 0, C0 // IG, C1 // IG)
        z16 = jnp.zeros((_L,), jnp.float32)
        one16 = jnp.ones((_L,), jnp.float32)

        @pl.loop(0, HR)
        def _(r):
            @pl.loop(0, 128 // _L)
            def _(k):
                hist_v[r, pl.ds(k * _L, _L)] = z16

        @pl.when(sid < NDR)
        def _():
            pltpu.sync_copy(hist_v.at[pl.ds(0, DR)],
                            sh_hist.at[pl.ds(sid * DR, DR)])
        pltpu.sync_copy(lin_hbm, lin_v)

        @pl.loop(0, ngrp)
        def _(gr):
            pltpu.sync_copy(dst_hbm.at[pl.ds(base + gr * IG, IG)], idx_v)

            @pl.loop(0, IG)
            def _(j):
                @pl.loop(0, _CHUNK // _L)
                def _(k):
                    idx = idx_v[j, pl.ds(k * _L, _L)]
                    row = lax.shift_right_logical(idx, 7)
                    col = lax.bitwise_and(idx, 127)
                    plsc.addupdate_scatter(hist_v, (row, col), one16)

        plsc.subcore_barrier()
        pltpu.sync_copy(hist_v, sh_hist.at[lin_v.at[0]], add=True)
        plsc.subcore_barrier()

        @pl.when(sid < NDR)
        def _():
            pltpu.sync_copy(sh_hist.at[pl.ds(sid * DR, DR)],
                            deg_hbm.at[pl.ds(cid * HR + sid * DR, DR)])

    return hist_kernel(dst_t, lin)


def _sc_edges(g, src_t, dst_t, NPAD, C0, C1, IG):
    RPT = NPAD // _NS

    @functools.partial(
        pl.kernel,
        out_type=jax.ShapeDtypeStruct((_NC * NPAD, 128), jnp.float32),
        mesh=plsc.VectorSubcoreMesh(core_axis_name="c", subcore_axis_name="s"),
        scratch_types=[
            pltpu.VMEM((IG, _CHUNK), jnp.int32),
            pltpu.VMEM((IG, _CHUNK), jnp.int32),
            pltpu.VMEM((_CHUNK, 128), jnp.float32),
            pltpu.VMEM((_CHUNK, 128), jnp.float32),
            pltpu.VMEM_SHARED((NPAD, 128), jnp.float32),
            pltpu.SemaphoreType.DMA,
            pltpu.SemaphoreType.DMA,
            pltpu.SemaphoreType.DMA,
            pltpu.SemaphoreType.DMA,
        ],
        compiler_params=_sc_params(),
    )
    def edge_kernel(g_hbm, src_hbm, dst_hbm, acc_hbm,
                    src_v, dst_v, rows0, rows1, acc_sh,
                    semg0, semg1, sems0, sems1):
        cid = lax.axis_index("c")
        sid = lax.axis_index("s")
        base = jnp.where(cid == 0, sid * C0, _NS * C0 + sid * C1)
        ngrp = jnp.where(cid == 0, C0 // IG, C1 // IG)
        z16 = jnp.zeros((_L,), jnp.float32)

        @pl.loop(0, _CHUNK)
        def _(r):
            @pl.loop(0, 128 // _L)
            def _(k):
                rows0[r, pl.ds(k * _L, _L)] = z16

        @pl.loop(0, RPT // _CHUNK)
        def _(r):
            pltpu.sync_copy(rows0,
                            acc_sh.at[pl.ds(sid * RPT + r * _CHUNK, _CHUNK)])

        plsc.subcore_barrier()

        QS = _CHUNK // _SUB

        def _fire(j, buf, sem):
            for q in range(_SUB):
                pltpu.async_copy(
                    g_hbm.at[src_v.at[j].at[pl.ds(q * QS, QS)]],
                    buf.at[pl.ds(q * QS, QS)], sem)

        @pl.loop(0, ngrp)
        def _(gr):
            start = base + gr * IG
            pltpu.sync_copy(src_hbm.at[pl.ds(start, IG)], src_v)
            pltpu.sync_copy(dst_hbm.at[pl.ds(start, IG)], dst_v)
            _fire(0, rows0, semg0)

            @pl.loop(0, IG, step=2)
            def _(j):
                pltpu.make_async_copy(g_hbm.at[src_v.at[0]], rows0,
                                      semg0).wait()
                _fire(j + 1, rows1, semg1)
                sa = pltpu.async_copy(rows0, acc_sh.at[dst_v.at[j]], sems0,
                                      add=True)
                pltpu.make_async_copy(g_hbm.at[src_v.at[0]], rows1,
                                      semg1).wait()
                sa.wait()

                @pl.when(j + 2 < IG)
                def _():
                    _fire(j + 2, rows0, semg0)

                sb = pltpu.async_copy(rows1, acc_sh.at[dst_v.at[j + 1]],
                                      sems1, add=True)
                sb.wait()

        plsc.subcore_barrier()
        pltpu.sync_copy(acc_sh.at[pl.ds(sid * RPT, RPT)],
                        acc_hbm.at[pl.ds(cid * NPAD + sid * RPT, RPT)])

    return edge_kernel(g, src_t, dst_t)


def _mm_body(x_ref, w_ref, h_ref):
    h_ref[...] = jnp.dot(x_ref[...], w_ref[...],
                         preferred_element_type=jnp.float32)


def _tc_matmul(x_p, W):
    NPAD, F = x_p.shape
    H = W.shape[1]
    BN = 1024
    return pl.pallas_call(
        _mm_body,
        grid=(NPAD // BN,),
        in_specs=[pl.BlockSpec((BN, F), lambda i: (i, 0)),
                  pl.BlockSpec((F, H), lambda i: (0, 0))],
        out_specs=pl.BlockSpec((BN, H), lambda i: (i, 0)),
        out_shape=jax.ShapeDtypeStruct((NPAD, H), jnp.float32),
    )(x_p, W)


def _scale_body(h_ref, d0_ref, d1_ref, g_ref):
    deg = d0_ref[...] + d1_ref[...] + 1.0
    g_ref[...] = h_ref[...] * lax.rsqrt(deg)


def _tc_scale(h, d0, d1):
    NPAD, H = h.shape
    BN = 1024
    return pl.pallas_call(
        _scale_body,
        grid=(NPAD // BN,),
        in_specs=[pl.BlockSpec((BN, H), lambda i: (i, 0)),
                  pl.BlockSpec((BN, 1), lambda i: (i, 0)),
                  pl.BlockSpec((BN, 1), lambda i: (i, 0))],
        out_specs=pl.BlockSpec((BN, H), lambda i: (i, 0)),
        out_shape=jax.ShapeDtypeStruct((NPAD, H), jnp.float32),
    )(h, d0, d1)


def _final_body(a0_ref, a1_ref, g_ref, d0_ref, d1_ref, b_ref, o_ref):
    deg = d0_ref[...] + d1_ref[...] + 1.0
    o_ref[...] = ((a0_ref[...] + a1_ref[...] + g_ref[...])
                  * lax.rsqrt(deg) + b_ref[...])


def _tc_final(acc, g, d0, d1, b2, N, NPAD):
    H = g.shape[1]
    BN = 1024
    nblk = NPAD // BN
    return pl.pallas_call(
        _final_body,
        grid=(_cdiv(N, BN),),
        in_specs=[pl.BlockSpec((BN, H), lambda i: (i, 0)),
                  pl.BlockSpec((BN, H), lambda i: (i + nblk, 0)),
                  pl.BlockSpec((BN, H), lambda i: (i, 0)),
                  pl.BlockSpec((BN, 1), lambda i: (i, 0)),
                  pl.BlockSpec((BN, 1), lambda i: (i, 0)),
                  pl.BlockSpec((1, H), lambda i: (0, 0))],
        out_specs=pl.BlockSpec((BN, H), lambda i: (i, 0)),
        out_shape=jax.ShapeDtypeStruct((N, H), jnp.float32),
    )(acc, acc, g, d0, d1, b2)


def kernel(edge_index, x, W, b):
    N, F = x.shape
    H = W.shape[1]
    E = edge_index.shape[1]

    NPAD = _cdiv(N, _NS * _CHUNK) * (_NS * _CHUNK)
    if NPAD == N:
        NPAD += _NS * _CHUNK

    CT = _cdiv(_cdiv(E, _NS * _CHUNK), 32) * 32
    C0 = max(8, min(CT - 8, int(round(CT * 0.90 / 8)) * 8))
    C1 = CT - C0
    IG = 8
    for _ig in (40, 16):
        if C0 % _ig == 0 and C1 % _ig == 0:
            IG = _ig
            break
    TCH = _NS * CT
    EPAD = TCH * _CHUNK
    HR = NPAD // 128

    src = edge_index[0].astype(jnp.int32)
    dst = edge_index[1].astype(jnp.int32)
    src_t = jnp.concatenate(
        [src, jnp.zeros((EPAD - E,), jnp.int32)]).reshape(TCH, _CHUNK)
    pad_dst = N + jnp.arange(EPAD - E, dtype=jnp.int32) % (NPAD - N)
    dst_t = jnp.concatenate([dst, pad_dst]).reshape(TCH, _CHUNK)
    lin = jnp.arange(HR, dtype=jnp.int32).reshape(1, HR)
    x_p = jnp.pad(x, ((0, NPAD - N), (0, 0)))

    CH = CT // 2
    deg_p = _sc_hist(dst_t, lin, NPAD, CH, CT - CH, 8)
    h = _tc_matmul(x_p, W)
    degflat = deg_p.reshape(_NC, NPAD)
    d0 = degflat[0].reshape(NPAD, 1)
    d1 = degflat[1].reshape(NPAD, 1)
    g = _tc_scale(h, d0, d1)
    acc = _sc_edges(g, src_t, dst_t, NPAD, C0, C1, IG)
    return _tc_final(acc, g, d0, d1, b.reshape(1, H), N, NPAD)

# --- scband reference (transcript-rebuilt; emitter-appended) ---
"""Pipeline reference for scband-gcn-47991964565963 (READ-ONLY COPY).

The authoritative reference and input builder live on the scoring server;
editing this copy changes nothing except your own understanding.
"""

import jax, jax.numpy as jnp
import numpy as np

N_NODES = 10000
N_EDGES = 320000
NFEAT = 128
NHID = 128


def setup_inputs(seed: int = 0) -> dict:
    key = jax.random.key(seed)
    k1, k2, k3, k4 = jax.random.split(key, 4)
    edge_index = jax.random.randint(k1, (2, N_EDGES), 0, N_NODES, dtype=jnp.int64)
    x = jax.random.normal(k2, (N_NODES, NFEAT), dtype=jnp.float32)
    # GCNConv learned parameters (glorot-style init for weight, zeros for bias)
    W = jax.random.normal(k3, (NFEAT, NHID), dtype=jnp.float32) * (1.0 / np.sqrt(NFEAT))
    b = jnp.zeros((NHID,), dtype=jnp.float32)
    return {"edge_index": edge_index, "x": x, "W": W, "b": b}


def reference(edge_index, x, W, b):
    # Faithful GCNConv (torch_geometric semantics):
    #   1) add self-loops
    #   2) symmetric normalization norm = D^{-1/2}[src] * D^{-1/2}[dst]
    #   3) linear transform, gather messages from src, scatter-add at dst, add bias
    N = x.shape[0]
    loop = jnp.arange(N, dtype=edge_index.dtype)
    src = jnp.concatenate([edge_index[0], loop])
    dst = jnp.concatenate([edge_index[1], loop])
    edge_weight = jnp.ones(src.shape[0], dtype=x.dtype)
    # degree computed at destination nodes (source_to_target flow)
    deg = jnp.zeros((N,), dtype=x.dtype).at[dst].add(edge_weight)
    deg_inv_sqrt = jnp.where(deg > 0, jax.lax.rsqrt(jnp.maximum(deg, 1e-12)), 0.0)
    norm = deg_inv_sqrt[src] * edge_weight * deg_inv_sqrt[dst]
    h = x @ W
    msg = h[src] * norm[:, None]
    out = jnp.zeros((N, h.shape[1]), dtype=x.dtype).at[dst].add(msg)
    out = out + b
    return out

if __name__ == "__main__":
    import jax
    _d = setup_inputs()
    print(jax.jit(kernel)(*tuple(_d.values())))

</pallas_src>

<mosaic_0001>
#map = affine_map<(d0, d1) -> (0, 0)>
module attributes {stable_mosaic.version = 14 : i64} {
  func.func @hist_kernel(%arg0: i32, %arg1: i32, %arg2: memref<2560x128xi32, #tpu.memory_space<hbm>>, %arg3: memref<1x80xi32, #tpu.memory_space<hbm>>, %arg4: memref<160x128xf32, #tpu.memory_space<hbm>>, %arg5: memref<8x128xi32, #tpu.memory_space<vmem>>, %arg6: memref<80x128xf32, #tpu.memory_space<vmem>>, %arg7: memref<1x80xi32, #tpu.memory_space<vmem>>, %arg8: memref<80x128xf32, #tpu.memory_space<vmem_shared>>) attributes {dimension_semantics = [#tpu.dimension_semantics<core_parallel>, #tpu.dimension_semantics<subcore_parallel>], iteration_bounds = array<i64: 2, 16>, scalar_prefetch = 0 : i64, scratch_operands = 4 : i64, tpu.core_type = #tpu.core_type<sc_vector_subcore>, window_params = [{transform_indices = #map}, {transform_indices = #map}, {transform_indices = #map}]} {
    %eq3A = arith.constant 0 : i32
    %eq3A_0 = arith.cmpi eq, %arg0, %eq3A : i32
    %mul3A = arith.constant 80 : i32
    %mul3A_1 = arith.muli %arg1, %mul3A : i32
    %mul3A_2 = arith.constant 80 : i32
    %mul3A_3 = arith.muli %arg1, %mul3A_2 : i32
    %add3A = arith.constant 1280 : i32
    %add3A_4 = arith.addi %add3A, %mul3A_3 : i32
    %select_n3A = arith.select %eq3A_0, %mul3A_1, %add3A_4 : i32
    %eq3A_5 = arith.constant 0 : i32
    %eq3A_6 = arith.cmpi eq, %arg0, %eq3A_5 : i32
    %jit3A = arith.constant 10 : i32
    %jit3A_7 = arith.constant 10 : i32
    %select_n3A_8 = arith.select %eq3A_6, %jit3A, %jit3A_7 : i32
    %broadcast_in_dim3A = arith.constant 0.000000e+00 : f32
    %broadcast_in_dim3A_9 = vector.broadcast %broadcast_in_dim3A : f32 to vector<16xf32>
    %broadcast_in_dim3A_10 = arith.constant 1.000000e+00 : f32
    %broadcast_in_dim3A_11 = vector.broadcast %broadcast_in_dim3A_10 : f32 to vector<16xf32>
    %scan3A = arith.constant 0 : i32
    %scan3A_12 = arith.constant 80 : i32
    %scan3A_13 = arith.addi %scan3A, %scan3A_12 : i32
    %scan3A_14 = arith.constant 1 : i32
    scf.for %scan3A_40 = %scan3A to %scan3A_13 step %scan3A_14  : i32 {
      %mul3A_41 = arith.constant 1 : i32
      %mul3A_42 = arith.muli %scan3A_40, %mul3A_41 : i32
      %add3A_43 = arith.constant 0 : i32
      %add3A_44 = arith.addi %add3A_43, %mul3A_42 : i32
      %scan3A_45 = arith.constant 0 : i32
      %scan3A_46 = arith.constant 8 : i32
      %scan3A_47 = arith.addi %scan3A_45, %scan3A_46 : i32
      %scan3A_48 = arith.constant 1 : i32
      scf.for %scan3A_50 = %scan3A_45 to %scan3A_47 step %scan3A_48  : i32 {
        %mul3A_51 = arith.constant 1 : i32
        %mul3A_52 = arith.muli %scan3A_50, %mul3A_51 : i32
        %add3A_53 = arith.constant 0 : i32
        %add3A_54 = arith.addi %add3A_53, %mul3A_52 : i32
        %mul3A_55 = arith.constant 16 : i32
        %mul3A_56 = arith.muli %add3A_54, %mul3A_55 : i32
        %swap3A = arith.index_cast %add3A_44 : i32 to index
        %swap3A_57 = arith.index_cast %mul3A_56 : i32 to index
        %swap3A_58 = tpu.vector_load %arg6[%swap3A, %swap3A_57] {strides = array<i32>} : memref<80x128xf32, #tpu.memory_space<vmem>>, vector<16xf32>,
        tpu.vector_store %arg6[%swap3A, %swap3A_57], %broadcast_in_dim3A_9 {strides = array<i32>} : memref<80x128xf32, #tpu.memory_space<vmem>>, vector<16xf32>,
      }
      %scan3A_49 = arith.constant 8 : i32
    }
    %scan3A_15 = arith.constant 80 : i32
    %lt3A = arith.constant 10 : i32
    %lt3A_16 = arith.cmpi slt, %arg1, %lt3A : i32
    %convert_element_type3A = arith.extui %lt3A_16 : i1 to i32
    %cond3A = arith.constant 0 : i32
    %cond3A_17 = arith.cmpi ne, %convert_element_type3A, %cond3A : i32
    scf.if %cond3A_17 {
      %mul3A_40 = arith.constant 8 : i32
      %mul3A_41 = arith.muli %arg1, %mul3A_40 : i32
      "tpu.region"() ({
        %run_scoped3A_42 = tpu.sem_alloc : memref<!tpu.dma_semaphore, #tpu.memory_space<semaphore_mem>>
        %dma_start3A = arith.constant 0 : i32
        %dma_start3A_43 = arith.constant 0 : i32
        %dma_start3A_44 = tpu.memref_slice %arg6[%dma_start3A, %dma_start3A_43] : memref<80x128xf32, #tpu.memory_space<vmem>> -> memref<8x128xf32, #tpu.memory_space<vmem>>
        %dma_start3A_45 = arith.constant 0 : i32
        %dma_start3A_46 = tpu.memref_slice %arg8[%mul3A_41, %dma_start3A_45] : memref<80x128xf32, #tpu.memory_space<vmem_shared>> -> memref<8x128xf32, #tpu.memory_space<vmem_shared>>
        %dma_start3A_47 = arith.constant 0 : i32
        %dma_start3A_48 = tpu.memref_slice %arg8[%mul3A_41, %dma_start3A_47] : memref<80x128xf32, #tpu.memory_space<vmem_shared>> -> memref<8x128xf32, #tpu.memory_space<vmem_shared>>
        %dma_start3A_49 = arith.constant 0 : i32
        %dma_start3A_50 = arith.constant 0 : i32
        %dma_start3A_51 = tpu.memref_slice %arg6[%dma_start3A_49, %dma_start3A_50] : memref<80x128xf32, #tpu.memory_space<vmem>> -> memref<8x128xf32, #tpu.memory_space<vmem>>
        tpu.enqueue_dma source(%dma_start3A_51 : memref<8x128xf32, #tpu.memory_space<vmem>>) target(%dma_start3A_48 : memref<8x128xf32, #tpu.memory_space<vmem_shared>>) target_semaphore(%run_scoped3A_42 : memref<!tpu.dma_semaphore, #tpu.memory_space<semaphore_mem>>)
        %dma_wait3A = arith.constant 0 : i32
        %dma_wait3A_52 = arith.constant 0 : i32
        %dma_wait3A_53 = tpu.memref_slice %arg6[%dma_wait3A, %dma_wait3A_52] : memref<80x128xf32, #tpu.memory_space<vmem>> -> memref<8x128xf32, #tpu.memory_space<vmem>>
        %dma_wait3A_54 = arith.constant 0 : i32
        %dma_wait3A_55 = tpu.memref_slice %arg8[%mul3A_41, %dma_wait3A_54] : memref<80x128xf32, #tpu.memory_space<vmem_shared>> -> memref<8x128xf32, #tpu.memory_space<vmem_shared>>
        %dma_wait3A_56 = arith.constant 0 : i32
        %dma_wait3A_57 = tpu.memref_slice %arg8[%mul3A_41, %dma_wait3A_56] : memref<80x128xf32, #tpu.memory_space<vmem_shared>> -> memref<8x128xf32, #tpu.memory_space<vmem_shared>>
        %dma_wait3A_58 = arith.constant 0 : i32
        %dma_wait3A_59 = arith.constant 0 : i32
        %dma_wait3A_60 = tpu.memref_slice %arg6[%dma_wait3A_58, %dma_wait3A_59] : memref<80x128xf32, #tpu.memory_space<vmem>> -> memref<8x128xf32, #tpu.memory_space<vmem>>
        tpu.wait_dma2 semaphore(%run_scoped3A_42 : memref<!tpu.dma_semaphore, #tpu.memory_space<semaphore_mem>>) src(%dma_wait3A_60 : memref<8x128xf32, #tpu.memory_space<vmem>>) dst(%dma_wait3A_57 : memref<8x128xf32, #tpu.memory_space<vmem_shared>>)
        tpu.yield
      }) : () -> ()
    } else {
    }
    "tpu.region"() ({
      %run_scoped3A_40 = tpu.sem_alloc : memref<!tpu.dma_semaphore, #tpu.memory_space<semaphore_mem>>
      tpu.enqueue_dma source(%arg3 : memref<1x80xi32, #tpu.memory_space<hbm>>) target(%arg7 : memref<1x80xi32, #tpu.memory_space<vmem>>) target_semaphore(%run_scoped3A_40 : memref<!tpu.dma_semaphore, #tpu.memory_space<semaphore_mem>>)
      tpu.wait_dma2 semaphore(%run_scoped3A_40 : memref<!tpu.dma_semaphore, #tpu.memory_space<semaphore_mem>>) src(%arg3 : memref<1x80xi32, #tpu.memory_space<hbm>>) dst(%arg7 : memref<1x80xi32, #tpu.memory_space<vmem>>)
      tpu.yield
    }) : () -> ()
    %sub3A = arith.constant 0 : i32
    %sub3A_18 = arith.subi %select_n3A_8, %sub3A : i32
    %sub3A_19 = arith.constant 1 : i32
    %sub3A_20 = arith.constant 1 : i32
    %sub3A_21 = arith.subi %sub3A_19, %sub3A_20 : i32
    %add3A_22 = arith.addi %sub3A_18, %sub3A_21 : i32
    %div3A = arith.constant 1 : i32
    %div3A_23 = arith.divsi %add3A_22, %div3A : i32
    %while3A = arith.constant 1 : i32
    %while3A_24 = arith.constant 0 : i32
    %while3A_25 = arith.constant 0 : i32
    %while3A_26 = arith.subi %div3A_23, %while3A_25 : i32
    %while3A_27 = arith.addi %while3A_25, %while3A_26 : i32
    %while3A_28 = arith.constant 1 : i32
    %while3A_29 = arith.divsi %while3A_26, %while3A_28 : i32
    %while3A_30 = arith.muli %while3A_29, %while3A_28 : i32
    %while3A_31 = arith.addi %while3A_25, %while3A_30 : i32
    %while3A_32 = arith.constant 1 : i32
    scf.for %while3A_40 = %while3A_25 to %while3A_31 step %while3A_32  : i32 {
      %mul3A_41 = arith.muli %while3A_40, %while3A : i32
      %add3A_42 = arith.addi %while3A_24, %mul3A_41 : i32
      %mul3A_43 = arith.constant 8 : i32
      %mul3A_44 = arith.muli %add3A_42, %mul3A_43 : i32
      %add3A_45 = arith.addi %select_n3A, %mul3A_44 : i32
      "tpu.region"() ({
        %run_scoped3A_51 = tpu.sem_alloc : memref<!tpu.dma_semaphore, #tpu.memory_space<semaphore_mem>>
        %dma_start3A = arith.constant 0 : i32
        %dma_start3A_52 = tpu.memref_slice %arg2[%add3A_45, %dma_start3A] : memref<2560x128xi32, #tpu.memory_space<hbm>> -> memref<8x128xi32, #tpu.memory_space<hbm>>
        %dma_start3A_53 = arith.constant 0 : i32
        %dma_start3A_54 = tpu.memref_slice %arg2[%add3A_45, %dma_start3A_53] : memref<2560x128xi32, #tpu.memory_space<hbm>> -> memref<8x128xi32, #tpu.memory_space<hbm>>
        tpu.enqueue_dma source(%dma_start3A_54 : memref<8x128xi32, #tpu.memory_space<hbm>>) target(%arg5 : memref<8x128xi32, #tpu.memory_space<vmem>>) target_semaphore(%run_scoped3A_51 : memref<!tpu.dma_semaphore, #tpu.memory_space<semaphore_mem>>)
        %dma_wait3A = arith.constant 0 : i32
        %dma_wait3A_55 = tpu.memref_slice %arg2[%add3A_45, %dma_wait3A] : memref<2560x128xi32, #tpu.memory_space<hbm>> -> memref<8x128xi32, #tpu.memory_space<hbm>>
        %dma_wait3A_56 = arith.constant 0 : i32
        %dma_wait3A_57 = tpu.memref_slice %arg2[%add3A_45, %dma_wait3A_56] : memref<2560x128xi32, #tpu.memory_space<hbm>> -> memref<8x128xi32, #tpu.memory_space<hbm>>
        tpu.wait_dma2 semaphore(%run_scoped3A_51 : memref<!tpu.dma_semaphore, #tpu.memory_space<semaphore_mem>>) src(%dma_wait3A_57 : memref<8x128xi32, #tpu.memory_space<hbm>>) dst(%arg5 : memref<8x128xi32, #tpu.memory_space<vmem>>)
        tpu.yield
      }) : () -> ()
      %scan3A_46 = arith.constant 0 : i32
      %scan3A_47 = arith.constant 8 : i32
      %scan3A_48 = arith.addi %scan3A_46, %scan3A_47 : i32
      %scan3A_49 = arith.constant 1 : i32
      scf.for %scan3A_51 = %scan3A_46 to %scan3A_48 step %scan3A_49  : i32 {
        %mul3A_52 = arith.constant 1 : i32
        %mul3A_53 = arith.muli %scan3A_51, %mul3A_52 : i32
        %add3A_54 = arith.constant 0 : i32
        %add3A_55 = arith.addi %add3A_54, %mul3A_53 : i32
        %scan3A_56 = arith.constant 0 : i32
        %scan3A_57 = arith.constant 8 : i32
        %scan3A_58 = arith.addi %scan3A_56, %scan3A_57 : i32
        %scan3A_59 = arith.constant 1 : i32
        scf.for %scan3A_61 = %scan3A_56 to %scan3A_58 step %scan3A_59  : i32 {
          %mul3A_62 = arith.constant 1 : i32
          %mul3A_63 = arith.muli %scan3A_61, %mul3A_62 : i32
          %add3A_64 = arith.constant 0 : i32
          %add3A_65 = arith.addi %add3A_64, %mul3A_63 : i32
          %mul3A_66 = arith.constant 16 : i32
          %mul3A_67 = arith.muli %add3A_65, %mul3A_66 : i32
          %get3A = arith.index_cast %add3A_55 : i32 to index
          %get3A_68 = arith.index_cast %mul3A_67 : i32 to index
          %get3A_69 = tpu.vector_load %arg5[%get3A, %get3A_68] {strides = array<i32>} : memref<8x128xi32, #tpu.memory_space<vmem>>, vector<16xi32>,
          %shift_right_logical3A = arith.constant 7 : i32
          %shift_right_logical3A_70 = vector.broadcast %shift_right_logical3A : i32 to vector<16xi32>
          %shift_right_logical3A_71 = arith.shrui %get3A_69, %shift_right_logical3A_70 : vector<16xi32>
          %and3A = arith.constant 127 : i32
          %and3A_72 = vector.broadcast %and3A : i32 to vector<16xi32>
          %and3A_73 = arith.andi %get3A_69, %and3A_72 : vector<16xi32>
          tpu.vector_store_idx %arg6[%shift_right_logical3A_71, %and3A_73], %broadcast_in_dim3A_11 {add = true} : memref<80x128xf32, #tpu.memory_space<vmem>>[vector<16xi32>, vector<16xi32>], vector<16xf32>,
        }
        %scan3A_60 = arith.constant 8 : i32
      }
      %scan3A_50 = arith.constant 8 : i32
    }
    %while3A_33 = arith.constant 1 : i32
    scf.for %while3A_40 = %while3A_31 to %while3A_27 step %while3A_33  : i32 {
      %mul3A_41 = arith.muli %while3A_40, %while3A : i32
      %add3A_42 = arith.addi %while3A_24, %mul3A_41 : i32
      %mul3A_43 = arith.constant 8 : i32
      %mul3A_44 = arith.muli %add3A_42, %mul3A_43 : i32
      %add3A_45 = arith.addi %select_n3A, %mul3A_44 : i32
      "tpu.region"() ({
        %run_scoped3A_51 = tpu.sem_alloc : memref<!tpu.dma_semaphore, #tpu.memory_space<semaphore_mem>>
        %dma_start3A = arith.constant 0 : i32
        %dma_start3A_52 = tpu.memref_slice %arg2[%add3A_45, %dma_start3A] : memref<2560x128xi32, #tpu.memory_space<hbm>> -> memref<8x128xi32, #tpu.memory_space<hbm>>
        %dma_start3A_53 = arith.constant 0 : i32
        %dma_start3A_54 = tpu.memref_slice %arg2[%add3A_45, %dma_start3A_53] : memref<2560x128xi32, #tpu.memory_space<hbm>> -> memref<8x128xi32, #tpu.memory_space<hbm>>
        tpu.enqueue_dma source(%dma_start3A_54 : memref<8x128xi32, #tpu.memory_space<hbm>>) target(%arg5 : memref<8x128xi32, #tpu.memory_space<vmem>>) target_semaphore(%run_scoped3A_51 : memref<!tpu.dma_semaphore, #tpu.memory_space<semaphore_mem>>)
        %dma_wait3A = arith.constant 0 : i32
        %dma_wait3A_55 = tpu.memref_slice %arg2[%add3A_45, %dma_wait3A] : memref<2560x128xi32, #tpu.memory_space<hbm>> -> memref<8x128xi32, #tpu.memory_space<hbm>>
        %dma_wait3A_56 = arith.constant 0 : i32
        %dma_wait3A_57 = tpu.memref_slice %arg2[%add3A_45, %dma_wait3A_56] : memref<2560x128xi32, #tpu.memory_space<hbm>> -> memref<8x128xi32, #tpu.memory_space<hbm>>
        tpu.wait_dma2 semaphore(%run_scoped3A_51 : memref<!tpu.dma_semaphore, #tpu.memory_space<semaphore_mem>>) src(%dma_wait3A_57 : memref<8x128xi32, #tpu.memory_space<hbm>>) dst(%arg5 : memref<8x128xi32, #tpu.memory_space<vmem>>)
        tpu.yield
      }) : () -> ()
      %scan3A_46 = arith.constant 0 : i32
      %scan3A_47 = arith.constant 8 : i32
      %scan3A_48 = arith.addi %scan3A_46, %scan3A_47 : i32
      %scan3A_49 = arith.constant 1 : i32
      scf.for %scan3A_51 = %scan3A_46 to %scan3A_48 step %scan3A_49  : i32 {
        %mul3A_52 = arith.constant 1 : i32
        %mul3A_53 = arith.muli %scan3A_51, %mul3A_52 : i32
        %add3A_54 = arith.constant 0 : i32
        %add3A_55 = arith.addi %add3A_54, %mul3A_53 : i32
        %scan3A_56 = arith.constant 0 : i32
        %scan3A_57 = arith.constant 8 : i32
        %scan3A_58 = arith.addi %scan3A_56, %scan3A_57 : i32
        %scan3A_59 = arith.constant 1 : i32
        scf.for %scan3A_61 = %scan3A_56 to %scan3A_58 step %scan3A_59  : i32 {
          %mul3A_62 = arith.constant 1 : i32
          %mul3A_63 = arith.muli %scan3A_61, %mul3A_62 : i32
          %add3A_64 = arith.constant 0 : i32
          %add3A_65 = arith.addi %add3A_64, %mul3A_63 : i32
          %mul3A_66 = arith.constant 16 : i32
          %mul3A_67 = arith.muli %add3A_65, %mul3A_66 : i32
          %get3A = arith.index_cast %add3A_55 : i32 to index
          %get3A_68 = arith.index_cast %mul3A_67 : i32 to index
          %get3A_69 = tpu.vector_load %arg5[%get3A, %get3A_68] {strides = array<i32>} : memref<8x128xi32, #tpu.memory_space<vmem>>, vector<16xi32>,
          %shift_right_logical3A = arith.constant 7 : i32
          %shift_right_logical3A_70 = vector.broadcast %shift_right_logical3A : i32 to vector<16xi32>
          %shift_right_logical3A_71 = arith.shrui %get3A_69, %shift_right_logical3A_70 : vector<16xi32>
          %and3A = arith.constant 127 : i32
          %and3A_72 = vector.broadcast %and3A : i32 to vector<16xi32>
          %and3A_73 = arith.andi %get3A_69, %and3A_72 : vector<16xi32>
          tpu.vector_store_idx %arg6[%shift_right_logical3A_71, %and3A_73], %broadcast_in_dim3A_11 {add = true} : memref<80x128xf32, #tpu.memory_space<vmem>>[vector<16xi32>, vector<16xi32>], vector<16xf32>,
        }
        %scan3A_60 = arith.constant 8 : i32
      }
      %scan3A_50 = arith.constant 8 : i32
    }
    %barrier3A = arith.constant 0 : index
    tpu.barrier barrier_id(%barrier3A)
    %run_scoped3A = arith.constant 0 : i32
    "tpu.region"() ({
      %run_scoped3A_40 = tpu.sem_alloc : memref<!tpu.dma_semaphore, #tpu.memory_space<semaphore_mem>>
      %dma_start3A = arith.constant 0 : i32
      %dma_start3A_41 = tpu.memref_slice %arg7[%run_scoped3A, %dma_start3A] : memref<1x80xi32, #tpu.memory_space<vmem>> -> memref<1x80xi32, #tpu.memory_space<vmem>>
      %dma_start3A_42 = tpu.memref_squeeze %dma_start3A_41 : memref<1x80xi32, #tpu.memory_space<vmem>> -> memref<80xi32, #tpu.memory_space<vmem>>
      %dma_start3A_43 = arith.constant 0 : i32
      %dma_start3A_44 = arith.constant 0 : i32
      %dma_start3A_45 = tpu.memref_slice %arg8[%dma_start3A_43, %dma_start3A_44] : memref<80x128xf32, #tpu.memory_space<vmem_shared>> -> memref<80x128xf32, #tpu.memory_space<vmem_shared>>
      tpu.enqueue_indirect_dma source(%arg6 : memref<80x128xf32, #tpu.memory_space<vmem>>) target(%dma_start3A_45 : memref<80x128xf32, #tpu.memory_space<vmem_shared>>) offsets(%dma_start3A_42 : memref<80xi32, #tpu.memory_space<vmem>>) semaphore(%run_scoped3A_40 : memref<!tpu.dma_semaphore, #tpu.memory_space<semaphore_mem>>) {add = true}
      %dma_wait3A = arith.constant 0 : i32
      %dma_wait3A_46 = tpu.memref_slice %arg7[%run_scoped3A, %dma_wait3A] : memref<1x80xi32, #tpu.memory_space<vmem>> -> memref<1x80xi32, #tpu.memory_space<vmem>>
      %dma_wait3A_47 = tpu.memref_squeeze %dma_wait3A_46 : memref<1x80xi32, #tpu.memory_space<vmem>> -> memref<80xi32, #tpu.memory_space<vmem>>
      %dma_wait3A_48 = arith.constant 0 : i32
      %dma_wait3A_49 = arith.constant 0 : i32
      %dma_wait3A_50 = tpu.memref_slice %arg8[%dma_wait3A_48, %dma_wait3A_49] : memref<80x128xf32, #tpu.memory_space<vmem_shared>> -> memref<80x128xf32, #tpu.memory_space<vmem_shared>>
      tpu.wait_indirect_dma semaphore(%run_scoped3A_40 : memref<!tpu.dma_semaphore, #tpu.memory_space<semaphore_mem>>) src(%arg6 : memref<80x128xf32, #tpu.memory_space<vmem>>) dst(%dma_wait3A_50 : memref<80x128xf32, #tpu.memory_space<vmem_shared>>)
      tpu.yield
    }) : () -> ()
    %barrier3A_34 = arith.constant 0 : index
    tpu.barrier barrier_id(%barrier3A_34)
    %lt3A_35 = arith.constant 10 : i32
    %lt3A_36 = arith.cmpi slt, %arg1, %lt3A_35 : i32
    %convert_element_type3A_37 = arith.extui %lt3A_36 : i1 to i32
    %cond3A_38 = arith.constant 0 : i32
    %cond3A_39 = arith.cmpi ne, %convert_element_type3A_37, %cond3A_38 : i32
    scf.if %cond3A_39 {
      %mul3A_40 = arith.constant 8 : i32
      %mul3A_41 = arith.muli %arg1, %mul3A_40 : i32
      %mul3A_42 = arith.constant 80 : i32
      %mul3A_43 = arith.muli %arg0, %mul3A_42 : i32
      %mul3A_44 = arith.constant 8 : i32
      %mul3A_45 = arith.muli %arg1, %mul3A_44 : i32
      %add3A_46 = arith.addi %mul3A_43, %mul3A_45 : i32
      "tpu.region"() ({
        %run_scoped3A_47 = tpu.sem_alloc : memref<!tpu.dma_semaphore, #tpu.memory_space<semaphore_mem>>
        %dma_start3A = arith.constant 0 : i32
        %dma_start3A_48 = tpu.memref_slice %arg4[%add3A_46, %dma_start3A] : memref<160x128xf32, #tpu.memory_space<hbm>> -> memref<8x128xf32, #tpu.memory_space<hbm>>
        %dma_start3A_49 = arith.constant 0 : i32
        %dma_start3A_50 = tpu.memref_slice %arg8[%mul3A_41, %dma_start3A_49] : memref<80x128xf32, #tpu.memory_space<vmem_shared>> -> memref<8x128xf32, #tpu.memory_space<vmem_shared>>
        tpu.enqueue_dma source(%dma_start3A_50 : memref<8x128xf32, #tpu.memory_space<vmem_shared>>) target(%dma_start3A_48 : memref<8x128xf32, #tpu.memory_space<hbm>>) target_semaphore(%run_scoped3A_47 : memref<!tpu.dma_semaphore, #tpu.memory_space<semaphore_mem>>)
        %dma_wait3A = arith.constant 0 : i32
        %dma_wait3A_51 = tpu.memref_slice %arg4[%add3A_46, %dma_wait3A] : memref<160x128xf32, #tpu.memory_space<hbm>> -> memref<8x128xf32, #tpu.memory_space<hbm>>
        %dma_wait3A_52 = arith.constant 0 : i32
        %dma_wait3A_53 = tpu.memref_slice %arg8[%mul3A_41, %dma_wait3A_52] : memref<80x128xf32, #tpu.memory_space<vmem_shared>> -> memref<8x128xf32, #tpu.memory_space<vmem_shared>>
        tpu.wait_dma2 semaphore(%run_scoped3A_47 : memref<!tpu.dma_semaphore, #tpu.memory_space<semaphore_mem>>) src(%dma_wait3A_53 : memref<8x128xf32, #tpu.memory_space<vmem_shared>>) dst(%dma_wait3A_51 : memref<8x128xf32, #tpu.memory_space<hbm>>)
        tpu.yield
      }) : () -> ()
    } else {
    }
    return
  }
}

#map = affine_map<(d0, d1) -> (0, 0)>
module attributes {stable_mosaic.version = 14 : i64} {
  func.func @edge_kernel(%arg0: i32, %arg1: i32, %arg2: memref<10240x128xf32, #tpu.memory_space<hbm>>, %arg3: memref<2560x128xi32, #tpu.memory_space<hbm>>, %arg4: memref<2560x128xi32, #tpu.memory_space<hbm>>, %arg5: memref<20480x128xf32, #tpu.memory_space<hbm>>, %arg6: memref<16x128xi32, #tpu.memory_space<vmem>>, %arg7: memref<16x128xi32, #tpu.memory_space<vmem>>, %arg8: memref<128x128xf32, #tpu.memory_space<vmem>>, %arg9: memref<128x128xf32, #tpu.memory_space<vmem>>, %arg10: memref<10240x128xf32, #tpu.memory_space<vmem_shared>>, %arg11: memref<!tpu.dma_semaphore, #tpu.memory_space<semaphore_mem>>, %arg12: memref<!tpu.dma_semaphore, #tpu.memory_space<semaphore_mem>>, %arg13: memref<!tpu.dma_semaphore, #tpu.memory_space<semaphore_mem>>, %arg14: memref<!tpu.dma_semaphore, #tpu.memory_space<semaphore_mem>>) attributes {dimension_semantics = [#tpu.dimension_semantics<core_parallel>, #tpu.dimension_semantics<subcore_parallel>], iteration_bounds = array<i64: 2, 16>, scalar_prefetch = 0 : i64, scratch_operands = 9 : i64, tpu.core_type = #tpu.core_type<sc_vector_subcore>, window_params = [{transform_indices = #map}, {transform_indices = #map}, {transform_indices = #map}, {transform_indices = #map}]} {
    %eq3A = arith.constant 0 : i32
    %eq3A_0 = arith.cmpi eq, %arg0, %eq3A : i32
    %mul3A = arith.constant 144 : i32
    %mul3A_1 = arith.muli %arg1, %mul3A : i32
    %mul3A_2 = arith.constant 16 : i32
    %mul3A_3 = arith.muli %arg1, %mul3A_2 : i32
    %add3A = arith.constant 2304 : i32
    %add3A_4 = arith.addi %add3A, %mul3A_3 : i32
    %select_n3A = arith.select %eq3A_0, %mul3A_1, %add3A_4 : i32
    %eq3A_5 = arith.constant 0 : i32
    %eq3A_6 = arith.cmpi eq, %arg0, %eq3A_5 : i32
    %jit3A = arith.constant 9 : i32
    %jit3A_7 = arith.constant 1 : i32
    %select_n3A_8 = arith.select %eq3A_6, %jit3A, %jit3A_7 : i32
    %broadcast_in_dim3A = arith.constant 0.000000e+00 : f32
    %broadcast_in_dim3A_9 = vector.broadcast %broadcast_in_dim3A : f32 to vector<16xf32>
    %scan3A = arith.constant 0 : i32
    %scan3A_10 = arith.constant 128 : i32
    %scan3A_11 = arith.addi %scan3A, %scan3A_10 : i32
    %scan3A_12 = arith.constant 1 : i32
    scf.for %scan3A_43 = %scan3A to %scan3A_11 step %scan3A_12  : i32 {
      %mul3A_44 = arith.constant 1 : i32
      %mul3A_45 = arith.muli %scan3A_43, %mul3A_44 : i32
      %add3A_46 = arith.constant 0 : i32
      %add3A_47 = arith.addi %add3A_46, %mul3A_45 : i32
      %scan3A_48 = arith.constant 0 : i32
      %scan3A_49 = arith.constant 8 : i32
      %scan3A_50 = arith.addi %scan3A_48, %scan3A_49 : i32
      %scan3A_51 = arith.constant 1 : i32
      scf.for %scan3A_53 = %scan3A_48 to %scan3A_50 step %scan3A_51  : i32 {
        %mul3A_54 = arith.constant 1 : i32
        %mul3A_55 = arith.muli %scan3A_53, %mul3A_54 : i32
        %add3A_56 = arith.constant 0 : i32
        %add3A_57 = arith.addi %add3A_56, %mul3A_55 : i32
        %mul3A_58 = arith.constant 16 : i32
        %mul3A_59 = arith.muli %add3A_57, %mul3A_58 : i32
        %swap3A = arith.index_cast %add3A_47 : i32 to index
        %swap3A_60 = arith.index_cast %mul3A_59 : i32 to index
        %swap3A_61 = tpu.vector_load %arg8[%swap3A, %swap3A_60] {strides = array<i32>} : memref<128x128xf32, #tpu.memory_space<vmem>>, vector<16xf32>,
        tpu.vector_store %arg8[%swap3A, %swap3A_60], %broadcast_in_dim3A_9 {strides = array<i32>} : memref<128x128xf32, #tpu.memory_space<vmem>>, vector<16xf32>,
      }
      %scan3A_52 = arith.constant 8 : i32
    }
    %scan3A_13 = arith.constant 128 : i32
    %scan3A_14 = arith.constant 0 : i32
    %scan3A_15 = arith.constant 5 : i32
    %scan3A_16 = arith.addi %scan3A_14, %scan3A_15 : i32
    %scan3A_17 = arith.constant 1 : i32
    scf.for %scan3A_43 = %scan3A_14 to %scan3A_16 step %scan3A_17  : i32 {
      %mul3A_44 = arith.constant 1 : i32
      %mul3A_45 = arith.muli %scan3A_43, %mul3A_44 : i32
      %add3A_46 = arith.constant 0 : i32
      %add3A_47 = arith.addi %add3A_46, %mul3A_45 : i32
      %mul3A_48 = arith.constant 640 : i32
      %mul3A_49 = arith.muli %arg1, %mul3A_48 : i32
      %mul3A_50 = arith.constant 128 : i32
      %mul3A_51 = arith.muli %add3A_47, %mul3A_50 : i32
      %add3A_52 = arith.addi %mul3A_49, %mul3A_51 : i32
      "tpu.region"() ({
        %run_scoped3A = tpu.sem_alloc : memref<!tpu.dma_semaphore, #tpu.memory_space<semaphore_mem>>
        %dma_start3A = arith.constant 0 : i32
        %dma_start3A_53 = tpu.memref_slice %arg10[%add3A_52, %dma_start3A] : memref<10240x128xf32, #tpu.memory_space<vmem_shared>> -> memref<128x128xf32, #tpu.memory_space<vmem_shared>>
        %dma_start3A_54 = arith.constant 0 : i32
        %dma_start3A_55 = tpu.memref_slice %arg10[%add3A_52, %dma_start3A_54] : memref<10240x128xf32, #tpu.memory_space<vmem_shared>> -> memref<128x128xf32, #tpu.memory_space<vmem_shared>>
        tpu.enqueue_dma source(%arg8 : memref<128x128xf32, #tpu.memory_space<vmem>>) target(%dma_start3A_55 : memref<128x128xf32, #tpu.memory_space<vmem_shared>>) target_semaphore(%run_scoped3A : memref<!tpu.dma_semaphore, #tpu.memory_space<semaphore_mem>>)
        %dma_wait3A = arith.constant 0 : i32
        %dma_wait3A_56 = tpu.memref_slice %arg10[%add3A_52, %dma_wait3A] : memref<10240x128xf32, #tpu.memory_space<vmem_shared>> -> memref<128x128xf32, #tpu.memory_space<vmem_shared>>
        %dma_wait3A_57 = arith.constant 0 : i32
        %dma_wait3A_58 = tpu.memref_slice %arg10[%add3A_52, %dma_wait3A_57] : memref<10240x128xf32, #tpu.memory_space<vmem_shared>> -> memref<128x128xf32, #tpu.memory_space<vmem_shared>>
        tpu.wait_dma2 semaphore(%run_scoped3A : memref<!tpu.dma_semaphore, #tpu.memory_space<semaphore_mem>>) src(%arg8 : memref<128x128xf32, #tpu.memory_space<vmem>>) dst(%dma_wait3A_58 : memref<128x128xf32, #tpu.memory_space<vmem_shared>>)
        tpu.yield
      }) : () -> ()
    }
    %scan3A_18 = arith.constant 5 : i32
    %barrier3A = arith.constant 0 : index
    tpu.barrier barrier_id(%barrier3A)
    %sub3A = arith.constant 0 : i32
    %sub3A_19 = arith.subi %select_n3A_8, %sub3A : i32
    %sub3A_20 = arith.constant 1 : i32
    %sub3A_21 = arith.constant 1 : i32
    %sub3A_22 = arith.subi %sub3A_20, %sub3A_21 : i32
    %add3A_23 = arith.addi %sub3A_19, %sub3A_22 : i32
    %div3A = arith.constant 1 : i32
    %div3A_24 = arith.divsi %add3A_23, %div3A : i32
    %while3A = arith.constant 1 : i32
    %while3A_25 = arith.constant 0 : i32
    %while3A_26 = arith.constant 0 : i32
    %while3A_27 = arith.subi %div3A_24, %while3A_26 : i32
    %while3A_28 = arith.addi %while3A_26, %while3A_27 : i32
    %while3A_29 = arith.constant 1 : i32
    %while3A_30 = arith.divsi %while3A_27, %while3A_29 : i32
    %while3A_31 = arith.muli %while3A_30, %while3A_29 : i32
    %while3A_32 = arith.addi %while3A_26, %while3A_31 : i32
    %while3A_33 = arith.constant 1 : i32
    scf.for %while3A_43 = %while3A_26 to %while3A_32 step %while3A_33  : i32 {
      %mul3A_44 = arith.muli %while3A_43, %while3A : i32
      %add3A_45 = arith.addi %while3A_25, %mul3A_44 : i32
      %mul3A_46 = arith.constant 16 : i32
      %mul3A_47 = arith.muli %add3A_45, %mul3A_46 : i32
      %add3A_48 = arith.addi %select_n3A, %mul3A_47 : i32
      "tpu.region"() ({
        %run_scoped3A = tpu.sem_alloc : memref<!tpu.dma_semaphore, #tpu.memory_space<semaphore_mem>>
        %dma_start3A_101 = arith.constant 0 : i32
        %dma_start3A_102 = tpu.memref_slice %arg3[%add3A_48, %dma_start3A_101] : memref<2560x128xi32, #tpu.memory_space<hbm>> -> memref<16x128xi32, #tpu.memory_space<hbm>>
        %dma_start3A_103 = arith.constant 0 : i32
        %dma_start3A_104 = tpu.memref_slice %arg3[%add3A_48, %dma_start3A_103] : memref<2560x128xi32, #tpu.memory_space<hbm>> -> memref<16x128xi32, #tpu.memory_space<hbm>>
        tpu.enqueue_dma source(%dma_start3A_104 : memref<16x128xi32, #tpu.memory_space<hbm>>) target(%arg6 : memref<16x128xi32, #tpu.memory_space<vmem>>) target_semaphore(%run_scoped3A : memref<!tpu.dma_semaphore, #tpu.memory_space<semaphore_mem>>)
        %dma_wait3A = arith.constant 0 : i32
        %dma_wait3A_105 = tpu.memref_slice %arg3[%add3A_48, %dma_wait3A] : memref<2560x128xi32, #tpu.memory_space<hbm>> -> memref<16x128xi32, #tpu.memory_space<hbm>>
        %dma_wait3A_106 = arith.constant 0 : i32
        %dma_wait3A_107 = tpu.memref_slice %arg3[%add3A_48, %dma_wait3A_106] : memref<2560x128xi32, #tpu.memory_space<hbm>> -> memref<16x128xi32, #tpu.memory_space<hbm>>
        tpu.wait_dma2 semaphore(%run_scoped3A : memref<!tpu.dma_semaphore, #tpu.memory_space<semaphore_mem>>) src(%dma_wait3A_107 : memref<16x128xi32, #tpu.memory_space<hbm>>) dst(%arg6 : memref<16x128xi32, #tpu.memory_space<vmem>>)
        tpu.yield
      }) : () -> ()
      "tpu.region"() ({
        %run_scoped3A = tpu.sem_alloc : memref<!tpu.dma_semaphore, #tpu.memory_space<semaphore_mem>>
        %dma_start3A_101 = arith.constant 0 : i32
        %dma_start3A_102 = tpu.memref_slice %arg4[%add3A_48, %dma_start3A_101] : memref<2560x128xi32, #tpu.memory_space<hbm>> -> memref<16x128xi32, #tpu.memory_space<hbm>>
        %dma_start3A_103 = arith.constant 0 : i32
        %dma_start3A_104 = tpu.memref_slice %arg4[%add3A_48, %dma_start3A_103] : memref<2560x128xi32, #tpu.memory_space<hbm>> -> memref<16x128xi32, #tpu.memory_space<hbm>>
        tpu.enqueue_dma source(%dma_start3A_104 : memref<16x128xi32, #tpu.memory_space<hbm>>) target(%arg7 : memref<16x128xi32, #tpu.memory_space<vmem>>) target_semaphore(%run_scoped3A : memref<!tpu.dma_semaphore, #tpu.memory_space<semaphore_mem>>)
        %dma_wait3A = arith.constant 0 : i32
        %dma_wait3A_105 = tpu.memref_slice %arg4[%add3A_48, %dma_wait3A] : memref<2560x128xi32, #tpu.memory_space<hbm>> -> memref<16x128xi32, #tpu.memory_space<hbm>>
        %dma_wait3A_106 = arith.constant 0 : i32
        %dma_wait3A_107 = tpu.memref_slice %arg4[%add3A_48, %dma_wait3A_106] : memref<2560x128xi32, #tpu.memory_space<hbm>> -> memref<16x128xi32, #tpu.memory_space<hbm>>
        tpu.wait_dma2 semaphore(%run_scoped3A : memref<!tpu.dma_semaphore, #tpu.memory_space<semaphore_mem>>) src(%dma_wait3A_107 : memref<16x128xi32, #tpu.memory_space<hbm>>) dst(%arg7 : memref<16x128xi32, #tpu.memory_space<vmem>>)
        tpu.yield
      }) : () -> ()
      %dma_start3A = arith.constant 0 : i32
      %dma_start3A_49 = arith.constant 0 : i32
      %dma_start3A_50 = arith.constant 0 : i32
      %dma_start3A_51 = tpu.memref_slice %arg8[%dma_start3A_49, %dma_start3A_50] : memref<128x128xf32, #tpu.memory_space<vmem>> -> memref<32x128xf32, #tpu.memory_space<vmem>>
      %dma_start3A_52 = arith.constant 0 : i32
      %dma_start3A_53 = tpu.memref_slice %arg6[%dma_start3A, %dma_start3A_52] : memref<16x128xi32, #tpu.memory_space<vmem>> -> memref<1x128xi32, #tpu.memory_space<vmem>>
      %dma_start3A_54 = tpu.memref_squeeze %dma_start3A_53 : memref<1x128xi32, #tpu.memory_space<vmem>> -> memref<128xi32, #tpu.memory_space<vmem>>
      %dma_start3A_55 = arith.constant 0 : i32
      %dma_start3A_56 = tpu.memref_slice %dma_start3A_54[%dma_start3A_55] : memref<128xi32, #tpu.memory_space<vmem>> -> memref<32xi32, #tpu.memory_space<vmem>>
      %dma_start3A_57 = arith.constant 0 : i32
      %dma_start3A_58 = arith.constant 0 : i32
      %dma_start3A_59 = tpu.memref_slice %arg2[%dma_start3A_57, %dma_start3A_58] : memref<10240x128xf32, #tpu.memory_space<hbm>> -> memref<10240x128xf32, #tpu.memory_space<hbm>>
      tpu.enqueue_indirect_dma source(%dma_start3A_59 : memref<10240x128xf32, #tpu.memory_space<hbm>>) target(%dma_start3A_51 : memref<32x128xf32, #tpu.memory_space<vmem>>) offsets(%dma_start3A_56 : memref<32xi32, #tpu.memory_space<vmem>>) semaphore(%arg11 : memref<!tpu.dma_semaphore, #tpu.memory_space<semaphore_mem>>)
      %dma_start3A_60 = arith.constant 0 : i32
      %dma_start3A_61 = arith.constant 32 : i32
      %dma_start3A_62 = arith.constant 0 : i32
      %dma_start3A_63 = tpu.memref_slice %arg8[%dma_start3A_61, %dma_start3A_62] : memref<128x128xf32, #tpu.memory_space<vmem>> -> memref<32x128xf32, #tpu.memory_space<vmem>>
      %dma_start3A_64 = arith.constant 0 : i32
      %dma_start3A_65 = tpu.memref_slice %arg6[%dma_start3A_60, %dma_start3A_64] : memref<16x128xi32, #tpu.memory_space<vmem>> -> memref<1x128xi32, #tpu.memory_space<vmem>>
      %dma_start3A_66 = tpu.memref_squeeze %dma_start3A_65 : memref<1x128xi32, #tpu.memory_space<vmem>> -> memref<128xi32, #tpu.memory_space<vmem>>
      %dma_start3A_67 = arith.constant 32 : i32
      %dma_start3A_68 = tpu.memref_slice %dma_start3A_66[%dma_start3A_67] : memref<128xi32, #tpu.memory_space<vmem>> -> memref<32xi32, #tpu.memory_space<vmem>>
      %dma_start3A_69 = arith.constant 0 : i32
      %dma_start3A_70 = arith.constant 0 : i32
      %dma_start3A_71 = tpu.memref_slice %arg2[%dma_start3A_69, %dma_start3A_70] : memref<10240x128xf32, #tpu.memory_space<hbm>> -> memref<10240x128xf32, #tpu.memory_space<hbm>>
      tpu.enqueue_indirect_dma source(%dma_start3A_71 : memref<10240x128xf32, #tpu.memory_space<hbm>>) target(%dma_start3A_63 : memref<32x128xf32, #tpu.memory_space<vmem>>) offsets(%dma_start3A_68 : memref<32xi32, #tpu.memory_space<vmem>>) semaphore(%arg11 : memref<!tpu.dma_semaphore, #tpu.memory_space<semaphore_mem>>)
      %dma_start3A_72 = arith.constant 0 : i32
      %dma_start3A_73 = arith.constant 64 : i32
      %dma_start3A_74 = arith.constant 0 : i32
      %dma_start3A_75 = tpu.memref_slice %arg8[%dma_start3A_73, %dma_start3A_74] : memref<128x128xf32, #tpu.memory_space<vmem>> -> memref<32x128xf32, #tpu.memory_space<vmem>>
      %dma_start3A_76 = arith.constant 0 : i32
      %dma_start3A_77 = tpu.memref_slice %arg6[%dma_start3A_72, %dma_start3A_76] : memref<16x128xi32, #tpu.memory_space<vmem>> -> memref<1x128xi32, #tpu.memory_space<vmem>>
      %dma_start3A_78 = tpu.memref_squeeze %dma_start3A_77 : memref<1x128xi32, #tpu.memory_space<vmem>> -> memref<128xi32, #tpu.memory_space<vmem>>
      %dma_start3A_79 = arith.constant 64 : i32
      %dma_start3A_80 = tpu.memref_slice %dma_start3A_78[%dma_start3A_79] : memref<128xi32, #tpu.memory_space<vmem>> -> memref<32xi32, #tpu.memory_space<vmem>>
      %dma_start3A_81 = arith.constant 0 : i32
      %dma_start3A_82 = arith.constant 0 : i32
      %dma_start3A_83 = tpu.memref_slice %arg2[%dma_start3A_81, %dma_start3A_82] : memref<10240x128xf32, #tpu.memory_space<hbm>> -> memref<10240x128xf32, #tpu.memory_space<hbm>>
      tpu.enqueue_indirect_dma source(%dma_start3A_83 : memref<10240x128xf32, #tpu.memory_space<hbm>>) target(%dma_start3A_75 : memref<32x128xf32, #tpu.memory_space<vmem>>) offsets(%dma_start3A_80 : memref<32xi32, #tpu.memory_space<vmem>>) semaphore(%arg11 : memref<!tpu.dma_semaphore, #tpu.memory_space<semaphore_mem>>)
      %dma_start3A_84 = arith.constant 0 : i32
      %dma_start3A_85 = arith.constant 96 : i32
      %dma_start3A_86 = arith.constant 0 : i32
      %dma_start3A_87 = tpu.memref_slice %arg8[%dma_start3A_85, %dma_start3A_86] : memref<128x128xf32, #tpu.memory_space<vmem>> -> memref<32x128xf32, #tpu.memory_space<vmem>>
      %dma_start3A_88 = arith.constant 0 : i32
      %dma_start3A_89 = tpu.memref_slice %arg6[%dma_start3A_84, %dma_start3A_88] : memref<16x128xi32, #tpu.memory_space<vmem>> -> memref<1x128xi32, #tpu.memory_space<vmem>>
      %dma_start3A_90 = tpu.memref_squeeze %dma_start3A_89 : memref<1x128xi32, #tpu.memory_space<vmem>> -> memref<128xi32, #tpu.memory_space<vmem>>
      %dma_start3A_91 = arith.constant 96 : i32
      %dma_start3A_92 = tpu.memref_slice %dma_start3A_90[%dma_start3A_91] : memref<128xi32, #tpu.memory_space<vmem>> -> memref<32xi32, #tpu.memory_space<vmem>>
      %dma_start3A_93 = arith.constant 0 : i32
      %dma_start3A_94 = arith.constant 0 : i32
      %dma_start3A_95 = tpu.memref_slice %arg2[%dma_start3A_93, %dma_start3A_94] : memref<10240x128xf32, #tpu.memory_space<hbm>> -> memref<10240x128xf32, #tpu.memory_space<hbm>>
      tpu.enqueue_indirect_dma source(%dma_start3A_95 : memref<10240x128xf32, #tpu.memory_space<hbm>>) target(%dma_start3A_87 : memref<32x128xf32, #tpu.memory_space<vmem>>) offsets(%dma_start3A_92 : memref<32xi32, #tpu.memory_space<vmem>>) semaphore(%arg11 : memref<!tpu.dma_semaphore, #tpu.memory_space<semaphore_mem>>)
      %scan3A_96 = arith.constant 0 : i32
      %scan3A_97 = arith.constant 8 : i32
      %scan3A_98 = arith.addi %scan3A_96, %scan3A_97 : i32
      %scan3A_99 = arith.constant 1 : i32
      scf.for %scan3A_101 = %scan3A_96 to %scan3A_98 step %scan3A_99  : i32 {
        %mul3A_102 = arith.constant 2 : i32
        %mul3A_103 = arith.muli %scan3A_101, %mul3A_102 : i32
        %add3A_104 = arith.constant 0 : i32
        %add3A_105 = arith.addi %add3A_104, %mul3A_103 : i32
        %dma_wait3A = arith.constant 0 : i32
        %dma_wait3A_106 = arith.constant 0 : i32
        %dma_wait3A_107 = tpu.memref_slice %arg6[%dma_wait3A, %dma_wait3A_106] : memref<16x128xi32, #tpu.memory_space<vmem>> -> memref<1x128xi32, #tpu.memory_space<vmem>>
        %dma_wait3A_108 = tpu.memref_squeeze %dma_wait3A_107 : memref<1x128xi32, #tpu.memory_space<vmem>> -> memref<128xi32, #tpu.memory_space<vmem>>
        %dma_wait3A_109 = arith.constant 0 : i32
        %dma_wait3A_110 = arith.constant 0 : i32
        %dma_wait3A_111 = tpu.memref_slice %arg2[%dma_wait3A_109, %dma_wait3A_110] : memref<10240x128xf32, #tpu.memory_space<hbm>> -> memref<10240x128xf32, #tpu.memory_space<hbm>>
        tpu.wait_indirect_dma semaphore(%arg11 : memref<!tpu.dma_semaphore, #tpu.memory_space<semaphore_mem>>) src(%dma_wait3A_111 : memref<10240x128xf32, #tpu.memory_space<hbm>>) dst(%arg8 : memref<128x128xf32, #tpu.memory_space<vmem>>)
        %add3A_112 = arith.constant 1 : i32
        %add3A_113 = arith.addi %add3A_105, %add3A_112 : i32
        %dma_start3A_114 = arith.constant 0 : i32
        %dma_start3A_115 = arith.constant 0 : i32
        %dma_start3A_116 = tpu.memref_slice %arg9[%dma_start3A_114, %dma_start3A_115] : memref<128x128xf32, #tpu.memory_space<vmem>> -> memref<32x128xf32, #tpu.memory_space<vmem>>
        %dma_start3A_117 = arith.constant 0 : i32
        %dma_start3A_118 = tpu.memref_slice %arg6[%add3A_113, %dma_start3A_117] : memref<16x128xi32, #tpu.memory_space<vmem>> -> memref<1x128xi32, #tpu.memory_space<vmem>>
        %dma_start3A_119 = tpu.memref_squeeze %dma_start3A_118 : memref<1x128xi32, #tpu.memory_space<vmem>> -> memref<128xi32, #tpu.memory_space<vmem>>
        %dma_start3A_120 = arith.constant 0 : i32
        %dma_start3A_121 = tpu.memref_slice %dma_start3A_119[%dma_start3A_120] : memref<128xi32, #tpu.memory_space<vmem>> -> memref<32xi32, #tpu.memory_space<vmem>>
        %dma_start3A_122 = arith.constant 0 : i32
        %dma_start3A_123 = arith.constant 0 : i32
        %dma_start3A_124 = tpu.memref_slice %arg2[%dma_start3A_122, %dma_start3A_123] : memref<10240x128xf32, #tpu.memory_space<hbm>> -> memref<10240x128xf32, #tpu.memory_space<hbm>>
        tpu.enqueue_indirect_dma source(%dma_start3A_124 : memref<10240x128xf32, #tpu.memory_space<hbm>>) target(%dma_start3A_116 : memref<32x128xf32, #tpu.memory_space<vmem>>) offsets(%dma_start3A_121 : memref<32xi32, #tpu.memory_space<vmem>>) semaphore(%arg12 : memref<!tpu.dma_semaphore, #tpu.memory_space<semaphore_mem>>)
        %dma_start3A_125 = arith.constant 32 : i32
        %dma_start3A_126 = arith.constant 0 : i32
        %dma_start3A_127 = tpu.memref_slice %arg9[%dma_start3A_125, %dma_start3A_126] : memref<128x128xf32, #tpu.memory_space<vmem>> -> memref<32x128xf32, #tpu.memory_space<vmem>>
        %dma_start3A_128 = arith.constant 0 : i32
        %dma_start3A_129 = tpu.memref_slice %arg6[%add3A_113, %dma_start3A_128] : memref<16x128xi32, #tpu.memory_space<vmem>> -> memref<1x128xi32, #tpu.memory_space<vmem>>
        %dma_start3A_130 = tpu.memref_squeeze %dma_start3A_129 : memref<1x128xi32, #tpu.memory_space<vmem>> -> memref<128xi32, #tpu.memory_space<vmem>>
        %dma_start3A_131 = arith.constant 32 : i32
        %dma_start3A_132 = tpu.memref_slice %dma_start3A_130[%dma_start3A_131] : memref<128xi32, #tpu.memory_space<vmem>> -> memref<32xi32, #tpu.memory_space<vmem>>
        %dma_start3A_133 = arith.constant 0 : i32
        %dma_start3A_134 = arith.constant 0 : i32
        %dma_start3A_135 = tpu.memref_slice %arg2[%dma_start3A_133, %dma_start3A_134] : memref<10240x128xf32, #tpu.memory_space<hbm>> -> memref<10240x128xf32, #tpu.memory_space<hbm>>
        tpu.enqueue_indirect_dma source(%dma_start3A_135 : memref<10240x128xf32, #tpu.memory_space<hbm>>) target(%dma_start3A_127 : memref<32x128xf32, #tpu.memory_space<vmem>>) offsets(%dma_start3A_132 : memref<32xi32, #tpu.memory_space<vmem>>) semaphore(%arg12 : memref<!tpu.dma_semaphore, #tpu.memory_space<semaphore_mem>>)
        %dma_start3A_136 = arith.constant 64 : i32
        %dma_start3A_137 = arith.constant 0 : i32
        %dma_start3A_138 = tpu.memref_slice %arg9[%dma_start3A_136, %dma_start3A_137] : memref<128x128xf32, #tpu.memory_space<vmem>> -> memref<32x128xf32, #tpu.memory_space<vmem>>
        %dma_start3A_139 = arith.constant 0 : i32
        %dma_start3A_140 = tpu.memref_slice %arg6[%add3A_113, %dma_start3A_139] : memref<16x128xi32, #tpu.memory_space<vmem>> -> memref<1x128xi32, #tpu.memory_space<vmem>>
        %dma_start3A_141 = tpu.memref_squeeze %dma_start3A_140 : memref<1x128xi32, #tpu.memory_space<vmem>> -> memref<128xi32, #tpu.memory_space<vmem>>
        %dma_start3A_142 = arith.constant 64 : i32
        %dma_start3A_143 = tpu.memref_slice %dma_start3A_141[%dma_start3A_142] : memref<128xi32, #tpu.memory_space<vmem>> -> memref<32xi32, #tpu.memory_space<vmem>>
        %dma_start3A_144 = arith.constant 0 : i32
        %dma_start3A_145 = arith.constant 0 : i32
        %dma_start3A_146 = tpu.memref_slice %arg2[%dma_start3A_144, %dma_start3A_145] : memref<10240x128xf32, #tpu.memory_space<hbm>> -> memref<10240x128xf32, #tpu.memory_space<hbm>>
        tpu.enqueue_indirect_dma source(%dma_start3A_146 : memref<10240x128xf32, #tpu.memory_space<hbm>>) target(%dma_start3A_138 : memref<32x128xf32, #tpu.memory_space<vmem>>) offsets(%dma_start3A_143 : memref<32xi32, #tpu.memory_space<vmem>>) semaphore(%arg12 : memref<!tpu.dma_semaphore, #tpu.memory_space<semaphore_mem>>)
        %dma_start3A_147 = arith.constant 96 : i32
        %dma_start3A_148 = arith.constant 0 : i32
        %dma_start3A_149 = tpu.memref_slice %arg9[%dma_start3A_147, %dma_start3A_148] : memref<128x128xf32, #tpu.memory_space<vmem>> -> memref<32x128xf32, #tpu.memory_space<vmem>>
        %dma_start3A_150 = arith.constant 0 : i32
        %dma_start3A_151 = tpu.memref_slice %arg6[%add3A_113, %dma_start3A_150] : memref<16x128xi32, #tpu.memory_space<vmem>> -> memref<1x128xi32, #tpu.memory_space<vmem>>
        %dma_start3A_152 = tpu.memref_squeeze %dma_start3A_151 : memref<1x128xi32, #tpu.memory_space<vmem>> -> memref<128xi32, #tpu.memory_space<vmem>>
        %dma_start3A_153 = arith.constant 96 : i32
        %dma_start3A_154 = tpu.memref_slice %dma_start3A_152[%dma_start3A_153] : memref<128xi32, #tpu.memory_space<vmem>> -> memref<32xi32, #tpu.memory_space<vmem>>
        %dma_start3A_155 = arith.constant 0 : i32
        %dma_start3A_156 = arith.constant 0 : i32
        %dma_start3A_157 = tpu.memref_slice %arg2[%dma_start3A_155, %dma_start3A_156] : memref<10240x128xf32, #tpu.memory_space<hbm>> -> memref<10240x128xf32, #tpu.memory_space<hbm>>
        tpu.enqueue_indirect_dma source(%dma_start3A_157 : memref<10240x128xf32, #tpu.memory_space<hbm>>) target(%dma_start3A_149 : memref<32x128xf32, #tpu.memory_space<vmem>>) offsets(%dma_start3A_154 : memref<32xi32, #tpu.memory_space<vmem>>) semaphore(%arg12 : memref<!tpu.dma_semaphore, #tpu.memory_space<semaphore_mem>>)
        %dma_start3A_158 = arith.constant 0 : i32
        %dma_start3A_159 = tpu.memref_slice %arg7[%add3A_105, %dma_start3A_158] : memref<16x128xi32, #tpu.memory_space<vmem>> -> memref<1x128xi32, #tpu.memory_space<vmem>>
        %dma_start3A_160 = tpu.memref_squeeze %dma_start3A_159 : memref<1x128xi32, #tpu.memory_space<vmem>> -> memref<128xi32, #tpu.memory_space<vmem>>
        %dma_start3A_161 = arith.constant 0 : i32
        %dma_start3A_162 = arith.constant 0 : i32
        %dma_start3A_163 = tpu.memref_slice %arg10[%dma_start3A_161, %dma_start3A_162] : memref<10240x128xf32, #tpu.memory_space<vmem_shared>> -> memref<10240x128xf32, #tpu.memory_space<vmem_shared>>
        tpu.enqueue_indirect_dma source(%arg8 : memref<128x128xf32, #tpu.memory_space<vmem>>) target(%dma_start3A_163 : memref<10240x128xf32, #tpu.memory_space<vmem_shared>>) offsets(%dma_start3A_160 : memref<128xi32, #tpu.memory_space<vmem>>) semaphore(%arg13 : memref<!tpu.dma_semaphore, #tpu.memory_space<semaphore_mem>>) {add = true}
        %dma_wait3A_164 = arith.constant 0 : i32
        %dma_wait3A_165 = arith.constant 0 : i32
        %dma_wait3A_166 = tpu.memref_slice %arg6[%dma_wait3A_164, %dma_wait3A_165] : memref<16x128xi32, #tpu.memory_space<vmem>> -> memref<1x128xi32, #tpu.memory_space<vmem>>
        %dma_wait3A_167 = tpu.memref_squeeze %dma_wait3A_166 : memref<1x128xi32, #tpu.memory_space<vmem>> -> memref<128xi32, #tpu.memory_space<vmem>>
        %dma_wait3A_168 = arith.constant 0 : i32
        %dma_wait3A_169 = arith.constant 0 : i32
        %dma_wait3A_170 = tpu.memref_slice %arg2[%dma_wait3A_168, %dma_wait3A_169] : memref<10240x128xf32, #tpu.memory_space<hbm>> -> memref<10240x128xf32, #tpu.memory_space<hbm>>
        tpu.wait_indirect_dma semaphore(%arg12 : memref<!tpu.dma_semaphore, #tpu.memory_space<semaphore_mem>>) src(%dma_wait3A_170 : memref<10240x128xf32, #tpu.memory_space<hbm>>) dst(%arg9 : memref<128x128xf32, #tpu.memory_space<vmem>>)
        %dma_wait3A_171 = arith.constant 0 : i32
        %dma_wait3A_172 = tpu.memref_slice %arg7[%add3A_105, %dma_wait3A_171] : memref<16x128xi32, #tpu.memory_space<vmem>> -> memref<1x128xi32, #tpu.memory_space<vmem>>
        %dma_wait3A_173 = tpu.memref_squeeze %dma_wait3A_172 : memref<1x128xi32, #tpu.memory_space<vmem>> -> memref<128xi32, #tpu.memory_space<vmem>>
        %dma_wait3A_174 = arith.constant 0 : i32
        %dma_wait3A_175 = arith.constant 0 : i32
        %dma_wait3A_176 = tpu.memref_slice %arg10[%dma_wait3A_174, %dma_wait3A_175] : memref<10240x128xf32, #tpu.memory_space<vmem_shared>> -> memref<10240x128xf32, #tpu.memory_space<vmem_shared>>
        tpu.wait_indirect_dma semaphore(%arg13 : memref<!tpu.dma_semaphore, #tpu.memory_space<semaphore_mem>>) src(%arg8 : memref<128x128xf32, #tpu.memory_space<vmem>>) dst(%dma_wait3A_176 : memref<10240x128xf32, #tpu.memory_space<vmem_shared>>)
        %add3A_177 = arith.constant 2 : i32
        %add3A_178 = arith.addi %add3A_105, %add3A_177 : i32
        %lt3A = arith.constant 16 : i32
        %lt3A_179 = arith.cmpi slt, %add3A_178, %lt3A : i32
        %convert_element_type3A = arith.extui %lt3A_179 : i1 to i32
        %cond3A = arith.constant 0 : i32
        %cond3A_180 = arith.cmpi ne, %convert_element_type3A, %cond3A : i32
        scf.if %cond3A_180 {
          %add3A_195 = arith.constant 2 : i32
          %add3A_196 = arith.addi %add3A_105, %add3A_195 : i32
          %dma_start3A_197 = arith.constant 0 : i32
          %dma_start3A_198 = arith.constant 0 : i32
          %dma_start3A_199 = tpu.memref_slice %arg8[%dma_start3A_197, %dma_start3A_198] : memref<128x128xf32, #tpu.memory_space<vmem>> -> memref<32x128xf32, #tpu.memory_space<vmem>>
          %dma_start3A_200 = arith.constant 0 : i32
          %dma_start3A_201 = tpu.memref_slice %arg6[%add3A_196, %dma_start3A_200] : memref<16x128xi32, #tpu.memory_space<vmem>> -> memref<1x128xi32, #tpu.memory_space<vmem>>
          %dma_start3A_202 = tpu.memref_squeeze %dma_start3A_201 : memref<1x128xi32, #tpu.memory_space<vmem>> -> memref<128xi32, #tpu.memory_space<vmem>>
          %dma_start3A_203 = arith.constant 0 : i32
          %dma_start3A_204 = tpu.memref_slice %dma_start3A_202[%dma_start3A_203] : memref<128xi32, #tpu.memory_space<vmem>> -> memref<32xi32, #tpu.memory_space<vmem>>
          %dma_start3A_205 = arith.constant 0 : i32
          %dma_start3A_206 = arith.constant 0 : i32
          %dma_start3A_207 = tpu.memref_slice %arg2[%dma_start3A_205, %dma_start3A_206] : memref<10240x128xf32, #tpu.memory_space<hbm>> -> memref<10240x128xf32, #tpu.memory_space<hbm>>
          tpu.enqueue_indirect_dma source(%dma_start3A_207 : memref<10240x128xf32, #tpu.memory_space<hbm>>) target(%dma_start3A_199 : memref<32x128xf32, #tpu.memory_space<vmem>>) offsets(%dma_start3A_204 : memref<32xi32, #tpu.memory_space<vmem>>) semaphore(%arg11 : memref<!tpu.dma_semaphore, #tpu.memory_space<semaphore_mem>>)
          %dma_start3A_208 = arith.constant 32 : i32
          %dma_start3A_209 = arith.constant 0 : i32
          %dma_start3A_210 = tpu.memref_slice %arg8[%dma_start3A_208, %dma_start3A_209] : memref<128x128xf32, #tpu.memory_space<vmem>> -> memref<32x128xf32, #tpu.memory_space<vmem>>
          %dma_start3A_211 = arith.constant 0 : i32
          %dma_start3A_212 = tpu.memref_slice %arg6[%add3A_196, %dma_start3A_211] : memref<16x128xi32, #tpu.memory_space<vmem>> -> memref<1x128xi32, #tpu.memory_space<vmem>>
          %dma_start3A_213 = tpu.memref_squeeze %dma_start3A_212 : memref<1x128xi32, #tpu.memory_space<vmem>> -> memref<128xi32, #tpu.memory_space<vmem>>
          %dma_start3A_214 = arith.constant 32 : i32
          %dma_start3A_215 = tpu.memref_slice %dma_start3A_213[%dma_start3A_214] : memref<128xi32, #tpu.memory_space<vmem>> -> memref<32xi32, #tpu.memory_space<vmem>>
          %dma_start3A_216 = arith.constant 0 : i32
          %dma_start3A_217 = arith.constant 0 : i32
          %dma_start3A_218 = tpu.memref_slice %arg2[%dma_start3A_216, %dma_start3A_217] : memref<10240x128xf32, #tpu.memory_space<hbm>> -> memref<10240x128xf32, #tpu.memory_space<hbm>>
          tpu.enqueue_indirect_dma source(%dma_start3A_218 : memref<10240x128xf32, #tpu.memory_space<hbm>>) target(%dma_start3A_210 : memref<32x128xf32, #tpu.memory_space<vmem>>) offsets(%dma_start3A_215 : memref<32xi32, #tpu.memory_space<vmem>>) semaphore(%arg11 : memref<!tpu.dma_semaphore, #tpu.memory_space<semaphore_mem>>)
          %dma_start3A_219 = arith.constant 64 : i32
          %dma_start3A_220 = arith.constant 0 : i32
          %dma_start3A_221 = tpu.memref_slice %arg8[%dma_start3A_219, %dma_start3A_220] : memref<128x128xf32, #tpu.memory_space<vmem>> -> memref<32x128xf32, #tpu.memory_space<vmem>>
          %dma_start3A_222 = arith.constant 0 : i32
          %dma_start3A_223 = tpu.memref_slice %arg6[%add3A_196, %dma_start3A_222] : memref<16x128xi32, #tpu.memory_space<vmem>> -> memref<1x128xi32, #tpu.memory_space<vmem>>
          %dma_start3A_224 = tpu.memref_squeeze %dma_start3A_223 : memref<1x128xi32, #tpu.memory_space<vmem>> -> memref<128xi32, #tpu.memory_space<vmem>>
          %dma_start3A_225 = arith.constant 64 : i32
          %dma_start3A_226 = tpu.memref_slice %dma_start3A_224[%dma_start3A_225] : memref<128xi32, #tpu.memory_space<vmem>> -> memref<32xi32, #tpu.memory_space<vmem>>
          %dma_start3A_227 = arith.constant 0 : i32
          %dma_start3A_228 = arith.constant 0 : i32
          %dma_start3A_229 = tpu.memref_slice %arg2[%dma_start3A_227, %dma_start3A_228] : memref<10240x128xf32, #tpu.memory_space<hbm>> -> memref<10240x128xf32, #tpu.memory_space<hbm>>
          tpu.enqueue_indirect_dma source(%dma_start3A_229 : memref<10240x128xf32, #tpu.memory_space<hbm>>) target(%dma_start3A_221 : memref<32x128xf32, #tpu.memory_space<vmem>>) offsets(%dma_start3A_226 : memref<32xi32, #tpu.memory_space<vmem>>) semaphore(%arg11 : memref<!tpu.dma_semaphore, #tpu.memory_space<semaphore_mem>>)
          %dma_start3A_230 = arith.constant 96 : i32
          %dma_start3A_231 = arith.constant 0 : i32
          %dma_start3A_232 = tpu.memref_slice %arg8[%dma_start3A_230, %dma_start3A_231] : memref<128x128xf32, #tpu.memory_space<vmem>> -> memref<32x128xf32, #tpu.memory_space<vmem>>
          %dma_start3A_233 = arith.constant 0 : i32
          %dma_start3A_234 = tpu.memref_slice %arg6[%add3A_196, %dma_start3A_233] : memref<16x128xi32, #tpu.memory_space<vmem>> -> memref<1x128xi32, #tpu.memory_space<vmem>>
          %dma_start3A_235 = tpu.memref_squeeze %dma_start3A_234 : memref<1x128xi32, #tpu.memory_space<vmem>> -> memref<128xi32, #tpu.memory_space<vmem>>
          %dma_start3A_236 = arith.constant 96 : i32
          %dma_start3A_237 = tpu.memref_slice %dma_start3A_235[%dma_start3A_236] : memref<128xi32, #tpu.memory_space<vmem>> -> memref<32xi32, #tpu.memory_space<vmem>>
          %dma_start3A_238 = arith.constant 0 : i32
          %dma_start3A_239 = arith.constant 0 : i32
          %dma_start3A_240 = tpu.memref_slice %arg2[%dma_start3A_238, %dma_start3A_239] : memref<10240x128xf32, #tpu.memory_space<hbm>> -> memref<10240x128xf32, #tpu.memory_space<hbm>>
          tpu.enqueue_indirect_dma source(%dma_start3A_240 : memref<10240x128xf32, #tpu.memory_space<hbm>>) target(%dma_start3A_232 : memref<32x128xf32, #tpu.memory_space<vmem>>) offsets(%dma_start3A_237 : memref<32xi32, #tpu.memory_space<vmem>>) semaphore(%arg11 : memref<!tpu.dma_semaphore, #tpu.memory_space<semaphore_mem>>)
        } else {
        }
        %add3A_181 = arith.constant 1 : i32
        %add3A_182 = arith.addi %add3A_105, %add3A_181 : i32
        %dma_start3A_183 = arith.constant 0 : i32
        %dma_start3A_184 = tpu.memref_slice %arg7[%add3A_182, %dma_start3A_183] : memref<16x128xi32, #tpu.memory_space<vmem>> -> memref<1x128xi32, #tpu.memory_space<vmem>>
        %dma_start3A_185 = tpu.memref_squeeze %dma_start3A_184 : memref<1x128xi32, #tpu.memory_space<vmem>> -> memref<128xi32, #tpu.memory_space<vmem>>
        %dma_start3A_186 = arith.constant 0 : i32
        %dma_start3A_187 = arith.constant 0 : i32
        %dma_start3A_188 = tpu.memref_slice %arg10[%dma_start3A_186, %dma_start3A_187] : memref<10240x128xf32, #tpu.memory_space<vmem_shared>> -> memref<10240x128xf32, #tpu.memory_space<vmem_shared>>
        tpu.enqueue_indirect_dma source(%arg9 : memref<128x128xf32, #tpu.memory_space<vmem>>) target(%dma_start3A_188 : memref<10240x128xf32, #tpu.memory_space<vmem_shared>>) offsets(%dma_start3A_185 : memref<128xi32, #tpu.memory_space<vmem>>) semaphore(%arg14 : memref<!tpu.dma_semaphore, #tpu.memory_space<semaphore_mem>>) {add = true}
        %dma_wait3A_189 = arith.constant 0 : i32
        %dma_wait3A_190 = tpu.memref_slice %arg7[%add3A_182, %dma_wait3A_189] : memref<16x128xi32, #tpu.memory_space<vmem>> -> memref<1x128xi32, #tpu.memory_space<vmem>>
        %dma_wait3A_191 = tpu.memref_squeeze %dma_wait3A_190 : memref<1x128xi32, #tpu.memory_space<vmem>> -> memref<128xi32, #tpu.memory_space<vmem>>
        %dma_wait3A_192 = arith.constant 0 : i32
        %dma_wait3A_193 = arith.constant 0 : i32
        %dma_wait3A_194 = tpu.memref_slice %arg10[%dma_wait3A_192, %dma_wait3A_193] : memref<10240x128xf32, #tpu.memory_space<vmem_shared>> -> memref<10240x128xf32, #tpu.memory_space<vmem_shared>>
        tpu.wait_indirect_dma semaphore(%arg14 : memref<!tpu.dma_semaphore, #tpu.memory_space<semaphore_mem>>) src(%arg9 : memref<128x128xf32, #tpu.memory_space<vmem>>) dst(%dma_wait3A_194 : memref<10240x128xf32, #tpu.memory_space<vmem_shared>>)
      }
      %scan3A_100 = arith.constant 8 : i32
    }
    %while3A_34 = arith.constant 1 : i32
    scf.for %while3A_43 = %while3A_32 to %while3A_28 step %while3A_34  : i32 {
      %mul3A_44 = arith.muli %while3A_43, %while3A : i32
      %add3A_45 = arith.addi %while3A_25, %mul3A_44 : i32
      %mul3A_46 = arith.constant 16 : i32
      %mul3A_47 = arith.muli %add3A_45, %mul3A_46 : i32
      %add3A_48 = arith.addi %select_n3A, %mul3A_47 : i32
      "tpu.region"() ({
        %run_scoped3A = tpu.sem_alloc : memref<!tpu.dma_semaphore, #tpu.memory_space<semaphore_mem>>
        %dma_start3A_101 = arith.constant 0 : i32
        %dma_start3A_102 = tpu.memref_slice %arg3[%add3A_48, %dma_start3A_101] : memref<2560x128xi32, #tpu.memory_space<hbm>> -> memref<16x128xi32, #tpu.memory_space<hbm>>
        %dma_start3A_103 = arith.constant 0 : i32
        %dma_start3A_104 = tpu.memref_slice %arg3[%add3A_48, %dma_start3A_103] : memref<2560x128xi32, #tpu.memory_space<hbm>> -> memref<16x128xi32, #tpu.memory_space<hbm>>
        tpu.enqueue_dma source(%dma_start3A_104 : memref<16x128xi32, #tpu.memory_space<hbm>>) target(%arg6 : memref<16x128xi32, #tpu.memory_space<vmem>>) target_semaphore(%run_scoped3A : memref<!tpu.dma_semaphore, #tpu.memory_space<semaphore_mem>>)
        %dma_wait3A = arith.constant 0 : i32
        %dma_wait3A_105 = tpu.memref_slice %arg3[%add3A_48, %dma_wait3A] : memref<2560x128xi32, #tpu.memory_space<hbm>> -> memref<16x128xi32, #tpu.memory_space<hbm>>
        %dma_wait3A_106 = arith.constant 0 : i32
        %dma_wait3A_107 = tpu.memref_slice %arg3[%add3A_48, %dma_wait3A_106] : memref<2560x128xi32, #tpu.memory_space<hbm>> -> memref<16x128xi32, #tpu.memory_space<hbm>>
        tpu.wait_dma2 semaphore(%run_scoped3A : memref<!tpu.dma_semaphore, #tpu.memory_space<semaphore_mem>>) src(%dma_wait3A_107 : memref<16x128xi32, #tpu.memory_space<hbm>>) dst(%arg6 : memref<16x128xi32, #tpu.memory_space<vmem>>)
        tpu.yield
      }) : () -> ()
      "tpu.region"() ({
        %run_scoped3A = tpu.sem_alloc : memref<!tpu.dma_semaphore, #tpu.memory_space<semaphore_mem>>
        %dma_start3A_101 = arith.constant 0 : i32
        %dma_start3A_102 = tpu.memref_slice %arg4[%add3A_48, %dma_start3A_101] : memref<2560x128xi32, #tpu.memory_space<hbm>> -> memref<16x128xi32, #tpu.memory_space<hbm>>
        %dma_start3A_103 = arith.constant 0 : i32
        %dma_start3A_104 = tpu.memref_slice %arg4[%add3A_48, %dma_start3A_103] : memref<2560x128xi32, #tpu.memory_space<hbm>> -> memref<16x128xi32, #tpu.memory_space<hbm>>
        tpu.enqueue_dma source(%dma_start3A_104 : memref<16x128xi32, #tpu.memory_space<hbm>>) target(%arg7 : memref<16x128xi32, #tpu.memory_space<vmem>>) target_semaphore(%run_scoped3A : memref<!tpu.dma_semaphore, #tpu.memory_space<semaphore_mem>>)
        %dma_wait3A = arith.constant 0 : i32
        %dma_wait3A_105 = tpu.memref_slice %arg4[%add3A_48, %dma_wait3A] : memref<2560x128xi32, #tpu.memory_space<hbm>> -> memref<16x128xi32, #tpu.memory_space<hbm>>
        %dma_wait3A_106 = arith.constant 0 : i32
        %dma_wait3A_107 = tpu.memref_slice %arg4[%add3A_48, %dma_wait3A_106] : memref<2560x128xi32, #tpu.memory_space<hbm>> -> memref<16x128xi32, #tpu.memory_space<hbm>>
        tpu.wait_dma2 semaphore(%run_scoped3A : memref<!tpu.dma_semaphore, #tpu.memory_space<semaphore_mem>>) src(%dma_wait3A_107 : memref<16x128xi32, #tpu.memory_space<hbm>>) dst(%arg7 : memref<16x128xi32, #tpu.memory_space<vmem>>)
        tpu.yield
      }) : () -> ()
      %dma_start3A = arith.constant 0 : i32
      %dma_start3A_49 = arith.constant 0 : i32
      %dma_start3A_50 = arith.constant 0 : i32
      %dma_start3A_51 = tpu.memref_slice %arg8[%dma_start3A_49, %dma_start3A_50] : memref<128x128xf32, #tpu.memory_space<vmem>> -> memref<32x128xf32, #tpu.memory_space<vmem>>
      %dma_start3A_52 = arith.constant 0 : i32
      %dma_start3A_53 = tpu.memref_slice %arg6[%dma_start3A, %dma_start3A_52] : memref<16x128xi32, #tpu.memory_space<vmem>> -> memref<1x128xi32, #tpu.memory_space<vmem>>
      %dma_start3A_54 = tpu.memref_squeeze %dma_start3A_53 : memref<1x128xi32, #tpu.memory_space<vmem>> -> memref<128xi32, #tpu.memory_space<vmem>>
      %dma_start3A_55 = arith.constant 0 : i32
      %dma_start3A_56 = tpu.memref_slice %dma_start3A_54[%dma_start3A_55] : memref<128xi32, #tpu.memory_space<vmem>> -> memref<32xi32, #tpu.memory_space<vmem>>
      %dma_start3A_57 = arith.constant 0 : i32
      %dma_start3A_58 = arith.constant 0 : i32
      %dma_start3A_59 = tpu.memref_slice %arg2[%dma_start3A_57, %dma_start3A_58] : memref<10240x128xf32, #tpu.memory_space<hbm>> -> memref<10240x128xf32, #tpu.memory_space<hbm>>
      tpu.enqueue_indirect_dma source(%dma_start3A_59 : memref<10240x128xf32, #tpu.memory_space<hbm>>) target(%dma_start3A_51 : memref<32x128xf32, #tpu.memory_space<vmem>>) offsets(%dma_start3A_56 : memref<32xi32, #tpu.memory_space<vmem>>) semaphore(%arg11 : memref<!tpu.dma_semaphore, #tpu.memory_space<semaphore_mem>>)
      %dma_start3A_60 = arith.constant 0 : i32
      %dma_start3A_61 = arith.constant 32 : i32
      %dma_start3A_62 = arith.constant 0 : i32
      %dma_start3A_63 = tpu.memref_slice %arg8[%dma_start3A_61, %dma_start3A_62] : memref<128x128xf32, #tpu.memory_space<vmem>> -> memref<32x128xf32, #tpu.memory_space<vmem>>
      %dma_start3A_64 = arith.constant 0 : i32
      %dma_start3A_65 = tpu.memref_slice %arg6[%dma_start3A_60, %dma_start3A_64] : memref<16x128xi32, #tpu.memory_space<vmem>> -> memref<1x128xi32, #tpu.memory_space<vmem>>
      %dma_start3A_66 = tpu.memref_squeeze %dma_start3A_65 : memref<1x128xi32, #tpu.memory_space<vmem>> -> memref<128xi32, #tpu.memory_space<vmem>>
      %dma_start3A_67 = arith.constant 32 : i32
      %dma_start3A_68 = tpu.memref_slice %dma_start3A_66[%dma_start3A_67] : memref<128xi32, #tpu.memory_space<vmem>> -> memref<32xi32, #tpu.memory_space<vmem>>
      %dma_start3A_69 = arith.constant 0 : i32
      %dma_start3A_70 = arith.constant 0 : i32
      %dma_start3A_71 = tpu.memref_slice %arg2[%dma_start3A_69, %dma_start3A_70] : memref<10240x128xf32, #tpu.memory_space<hbm>> -> memref<10240x128xf32, #tpu.memory_space<hbm>>
      tpu.enqueue_indirect_dma source(%dma_start3A_71 : memref<10240x128xf32, #tpu.memory_space<hbm>>) target(%dma_start3A_63 : memref<32x128xf32, #tpu.memory_space<vmem>>) offsets(%dma_start3A_68 : memref<32xi32, #tpu.memory_space<vmem>>) semaphore(%arg11 : memref<!tpu.dma_semaphore, #tpu.memory_space<semaphore_mem>>)
      %dma_start3A_72 = arith.constant 0 : i32
      %dma_start3A_73 = arith.constant 64 : i32
      %dma_start3A_74 = arith.constant 0 : i32
      %dma_start3A_75 = tpu.memref_slice %arg8[%dma_start3A_73, %dma_start3A_74] : memref<128x128xf32, #tpu.memory_space<vmem>> -> memref<32x128xf32, #tpu.memory_space<vmem>>
      %dma_start3A_76 = arith.constant 0 : i32
      %dma_start3A_77 = tpu.memref_slice %arg6[%dma_start3A_72, %dma_start3A_76] : memref<16x128xi32, #tpu.memory_space<vmem>> -> memref<1x128xi32, #tpu.memory_space<vmem>>
      %dma_start3A_78 = tpu.memref_squeeze %dma_start3A_77 : memref<1x128xi32, #tpu.memory_space<vmem>> -> memref<128xi32, #tpu.memory_space<vmem>>
      %dma_start3A_79 = arith.constant 64 : i32
      %dma_start3A_80 = tpu.memref_slice %dma_start3A_78[%dma_start3A_79] : memref<128xi32, #tpu.memory_space<vmem>> -> memref<32xi32, #tpu.memory_space<vmem>>
      %dma_start3A_81 = arith.constant 0 : i32
      %dma_start3A_82 = arith.constant 0 : i32
      %dma_start3A_83 = tpu.memref_slice %arg2[%dma_start3A_81, %dma_start3A_82] : memref<10240x128xf32, #tpu.memory_space<hbm>> -> memref<10240x128xf32, #tpu.memory_space<hbm>>
      tpu.enqueue_indirect_dma source(%dma_start3A_83 : memref<10240x128xf32, #tpu.memory_space<hbm>>) target(%dma_start3A_75 : memref<32x128xf32, #tpu.memory_space<vmem>>) offsets(%dma_start3A_80 : memref<32xi32, #tpu.memory_space<vmem>>) semaphore(%arg11 : memref<!tpu.dma_semaphore, #tpu.memory_space<semaphore_mem>>)
      %dma_start3A_84 = arith.constant 0 : i32
      %dma_start3A_85 = arith.constant 96 : i32
      %dma_start3A_86 = arith.constant 0 : i32
      %dma_start3A_87 = tpu.memref_slice %arg8[%dma_start3A_85, %dma_start3A_86] : memref<128x128xf32, #tpu.memory_space<vmem>> -> memref<32x128xf32, #tpu.memory_space<vmem>>
      %dma_start3A_88 = arith.constant 0 : i32
      %dma_start3A_89 = tpu.memref_slice %arg6[%dma_start3A_84, %dma_start3A_88] : memref<16x128xi32, #tpu.memory_space<vmem>> -> memref<1x128xi32, #tpu.memory_space<vmem>>
      %dma_start3A_90 = tpu.memref_squeeze %dma_start3A_89 : memref<1x128xi32, #tpu.memory_space<vmem>> -> memref<128xi32, #tpu.memory_space<vmem>>
      %dma_start3A_91 = arith.constant 96 : i32
      %dma_start3A_92 = tpu.memref_slice %dma_start3A_90[%dma_start3A_91] : memref<128xi32, #tpu.memory_space<vmem>> -> memref<32xi32, #tpu.memory_space<vmem>>
      %dma_start3A_93 = arith.constant 0 : i32
      %dma_start3A_94 = arith.constant 0 : i32
      %dma_start3A_95 = tpu.memref_slice %arg2[%dma_start3A_93, %dma_start3A_94] : memref<10240x128xf32, #tpu.memory_space<hbm>> -> memref<10240x128xf32, #tpu.memory_space<hbm>>
      tpu.enqueue_indirect_dma source(%dma_start3A_95 : memref<10240x128xf32, #tpu.memory_space<hbm>>) target(%dma_start3A_87 : memref<32x128xf32, #tpu.memory_space<vmem>>) offsets(%dma_start3A_92 : memref<32xi32, #tpu.memory_space<vmem>>) semaphore(%arg11 : memref<!tpu.dma_semaphore, #tpu.memory_space<semaphore_mem>>)
      %scan3A_96 = arith.constant 0 : i32
      %scan3A_97 = arith.constant 8 : i32
      %scan3A_98 = arith.addi %scan3A_96, %scan3A_97 : i32
      %scan3A_99 = arith.constant 1 : i32
      scf.for %scan3A_101 = %scan3A_96 to %scan3A_98 step %scan3A_99  : i32 {
        %mul3A_102 = arith.constant 2 : i32
        %mul3A_103 = arith.muli %scan3A_101, %mul3A_102 : i32
        %add3A_104 = arith.constant 0 : i32
        %add3A_105 = arith.addi %add3A_104, %mul3A_103 : i32
        %dma_wait3A = arith.constant 0 : i32
        %dma_wait3A_106 = arith.constant 0 : i32
        %dma_wait3A_107 = tpu.memref_slice %arg6[%dma_wait3A, %dma_wait3A_106] : memref<16x128xi32, #tpu.memory_space<vmem>> -> memref<1x128xi32, #tpu.memory_space<vmem>>
        %dma_wait3A_108 = tpu.memref_squeeze %dma_wait3A_107 : memref<1x128xi32, #tpu.memory_space<vmem>> -> memref<128xi32, #tpu.memory_space<vmem>>
        %dma_wait3A_109 = arith.constant 0 : i32
        %dma_wait3A_110 = arith.constant 0 : i32
        %dma_wait3A_111 = tpu.memref_slice %arg2[%dma_wait3A_109, %dma_wait3A_110] : memref<10240x128xf32, #tpu.memory_space<hbm>> -> memref<10240x128xf32, #tpu.memory_space<hbm>>
        tpu.wait_indirect_dma semaphore(%arg11 : memref<!tpu.dma_semaphore, #tpu.memory_space<semaphore_mem>>) src(%dma_wait3A_111 : memref<10240x128xf32, #tpu.memory_space<hbm>>) dst(%arg8 : memref<128x128xf32, #tpu.memory_space<vmem>>)
        %add3A_112 = arith.constant 1 : i32
        %add3A_113 = arith.addi %add3A_105, %add3A_112 : i32
        %dma_start3A_114 = arith.constant 0 : i32
        %dma_start3A_115 = arith.constant 0 : i32
        %dma_start3A_116 = tpu.memref_slice %arg9[%dma_start3A_114, %dma_start3A_115] : memref<128x128xf32, #tpu.memory_space<vmem>> -> memref<32x128xf32, #tpu.memory_space<vmem>>
        %dma_start3A_117 = arith.constant 0 : i32
        %dma_start3A_118 = tpu.memref_slice %arg6[%add3A_113, %dma_start3A_117] : memref<16x128xi32, #tpu.memory_space<vmem>> -> memref<1x128xi32, #tpu.memory_space<vmem>>
        %dma_start3A_119 = tpu.memref_squeeze %dma_start3A_118 : memref<1x128xi32, #tpu.memory_space<vmem>> -> memref<128xi32, #tpu.memory_space<vmem>>
        %dma_start3A_120 = arith.constant 0 : i32
        %dma_start3A_121 = tpu.memref_slice %dma_start3A_119[%dma_start3A_120] : memref<128xi32, #tpu.memory_space<vmem>> -> memref<32xi32, #tpu.memory_space<vmem>>
        %dma_start3A_122 = arith.constant 0 : i32
        %dma_start3A_123 = arith.constant 0 : i32
        %dma_start3A_124 = tpu.memref_slice %arg2[%dma_start3A_122, %dma_start3A_123] : memref<10240x128xf32, #tpu.memory_space<hbm>> -> memref<10240x128xf32, #tpu.memory_space<hbm>>
        tpu.enqueue_indirect_dma source(%dma_start3A_124 : memref<10240x128xf32, #tpu.memory_space<hbm>>) target(%dma_start3A_116 : memref<32x128xf32, #tpu.memory_space<vmem>>) offsets(%dma_start3A_121 : memref<32xi32, #tpu.memory_space<vmem>>) semaphore(%arg12 : memref<!tpu.dma_semaphore, #tpu.memory_space<semaphore_mem>>)
        %dma_start3A_125 = arith.constant 32 : i32
        %dma_start3A_126 = arith.constant 0 : i32
        %dma_start3A_127 = tpu.memref_slice %arg9[%dma_start3A_125, %dma_start3A_126] : memref<128x128xf32, #tpu.memory_space<vmem>> -> memref<32x128xf32, #tpu.memory_space<vmem>>
        %dma_start3A_128 = arith.constant 0 : i32
        %dma_start3A_129 = tpu.memref_slice %arg6[%add3A_113, %dma_start3A_128] : memref<16x128xi32, #tpu.memory_space<vmem>> -> memref<1x128xi32, #tpu.memory_space<vmem>>
        %dma_start3A_130 = tpu.memref_squeeze %dma_start3A_129 : memref<1x128xi32, #tpu.memory_space<vmem>> -> memref<128xi32, #tpu.memory_space<vmem>>
        %dma_start3A_131 = arith.constant 32 : i32
        %dma_start3A_132 = tpu.memref_slice %dma_start3A_130[%dma_start3A_131] : memref<128xi32, #tpu.memory_space<vmem>> -> memref<32xi32, #tpu.memory_space<vmem>>
        %dma_start3A_133 = arith.constant 0 : i32
        %dma_start3A_134 = arith.constant 0 : i32
        %dma_start3A_135 = tpu.memref_slice %arg2[%dma_start3A_133, %dma_start3A_134] : memref<10240x128xf32, #tpu.memory_space<hbm>> -> memref<10240x128xf32, #tpu.memory_space<hbm>>
        tpu.enqueue_indirect_dma source(%dma_start3A_135 : memref<10240x128xf32, #tpu.memory_space<hbm>>) target(%dma_start3A_127 : memref<32x128xf32, #tpu.memory_space<vmem>>) offsets(%dma_start3A_132 : memref<32xi32, #tpu.memory_space<vmem>>) semaphore(%arg12 : memref<!tpu.dma_semaphore, #tpu.memory_space<semaphore_mem>>)
        %dma_start3A_136 = arith.constant 64 : i32
        %dma_start3A_137 = arith.constant 0 : i32
        %dma_start3A_138 = tpu.memref_slice %arg9[%dma_start3A_136, %dma_start3A_137] : memref<128x128xf32, #tpu.memory_space<vmem>> -> memref<32x128xf32, #tpu.memory_space<vmem>>
        %dma_start3A_139 = arith.constant 0 : i32
        %dma_start3A_140 = tpu.memref_slice %arg6[%add3A_113, %dma_start3A_139] : memref<16x128xi32, #tpu.memory_space<vmem>> -> memref<1x128xi32, #tpu.memory_space<vmem>>
        %dma_start3A_141 = tpu.memref_squeeze %dma_start3A_140 : memref<1x128xi32, #tpu.memory_space<vmem>> -> memref<128xi32, #tpu.memory_space<vmem>>
        %dma_start3A_142 = arith.constant 64 : i32
        %dma_start3A_143 = tpu.memref_slice %dma_start3A_141[%dma_start3A_142] : memref<128xi32, #tpu.memory_space<vmem>> -> memref<32xi32, #tpu.memory_space<vmem>>
        %dma_start3A_144 = arith.constant 0 : i32
        %dma_start3A_145 = arith.constant 0 : i32
        %dma_start3A_146 = tpu.memref_slice %arg2[%dma_start3A_144, %dma_start3A_145] : memref<10240x128xf32, #tpu.memory_space<hbm>> -> memref<10240x128xf32, #tpu.memory_space<hbm>>
        tpu.enqueue_indirect_dma source(%dma_start3A_146 : memref<10240x128xf32, #tpu.memory_space<hbm>>) target(%dma_start3A_138 : memref<32x128xf32, #tpu.memory_space<vmem>>) offsets(%dma_start3A_143 : memref<32xi32, #tpu.memory_space<vmem>>) semaphore(%arg12 : memref<!tpu.dma_semaphore, #tpu.memory_space<semaphore_mem>>)
        %dma_start3A_147 = arith.constant 96 : i32
        %dma_start3A_148 = arith.constant 0 : i32
        %dma_start3A_149 = tpu.memref_slice %arg9[%dma_start3A_147, %dma_start3A_148] : memref<128x128xf32, #tpu.memory_space<vmem>> -> memref<32x128xf32, #tpu.memory_space<vmem>>
        %dma_start3A_150 = arith.constant 0 : i32
        %dma_start3A_151 = tpu.memref_slice %arg6[%add3A_113, %dma_start3A_150] : memref<16x128xi32, #tpu.memory_space<vmem>> -> memref<1x128xi32, #tpu.memory_space<vmem>>
        %dma_start3A_152 = tpu.memref_squeeze %dma_start3A_151 : memref<1x128xi32, #tpu.memory_space<vmem>> -> memref<128xi32, #tpu.memory_space<vmem>>
        %dma_start3A_153 = arith.constant 96 : i32
        %dma_start3A_154 = tpu.memref_slice %dma_start3A_152[%dma_start3A_153] : memref<128xi32, #tpu.memory_space<vmem>> -> memref<32xi32, #tpu.memory_space<vmem>>
        %dma_start3A_155 = arith.constant 0 : i32
        %dma_start3A_156 = arith.constant 0 : i32
        %dma_start3A_157 = tpu.memref_slice %arg2[%dma_start3A_155, %dma_start3A_156] : memref<10240x128xf32, #tpu.memory_space<hbm>> -> memref<10240x128xf32, #tpu.memory_space<hbm>>
        tpu.enqueue_indirect_dma source(%dma_start3A_157 : memref<10240x128xf32, #tpu.memory_space<hbm>>) target(%dma_start3A_149 : memref<32x128xf32, #tpu.memory_space<vmem>>) offsets(%dma_start3A_154 : memref<32xi32, #tpu.memory_space<vmem>>) semaphore(%arg12 : memref<!tpu.dma_semaphore, #tpu.memory_space<semaphore_mem>>)
        %dma_start3A_158 = arith.constant 0 : i32
        %dma_start3A_159 = tpu.memref_slice %arg7[%add3A_105, %dma_start3A_158] : memref<16x128xi32, #tpu.memory_space<vmem>> -> memref<1x128xi32, #tpu.memory_space<vmem>>
        %dma_start3A_160 = tpu.memref_squeeze %dma_start3A_159 : memref<1x128xi32, #tpu.memory_space<vmem>> -> memref<128xi32, #tpu.memory_space<vmem>>
        %dma_start3A_161 = arith.constant 0 : i32
        %dma_start3A_162 = arith.constant 0 : i32
        %dma_start3A_163 = tpu.memref_slice %arg10[%dma_start3A_161, %dma_start3A_162] : memref<10240x128xf32, #tpu.memory_space<vmem_shared>> -> memref<10240x128xf32, #tpu.memory_space<vmem_shared>>
        tpu.enqueue_indirect_dma source(%arg8 : memref<128x128xf32, #tpu.memory_space<vmem>>) target(%dma_start3A_163 : memref<10240x128xf32, #tpu.memory_space<vmem_shared>>) offsets(%dma_start3A_160 : memref<128xi32, #tpu.memory_space<vmem>>) semaphore(%arg13 : memref<!tpu.dma_semaphore, #tpu.memory_space<semaphore_mem>>) {add = true}
        %dma_wait3A_164 = arith.constant 0 : i32
        %dma_wait3A_165 = arith.constant 0 : i32
        %dma_wait3A_166 = tpu.memref_slice %arg6[%dma_wait3A_164, %dma_wait3A_165] : memref<16x128xi32, #tpu.memory_space<vmem>> -> memref<1x128xi32, #tpu.memory_space<vmem>>
        %dma_wait3A_167 = tpu.memref_squeeze %dma_wait3A_166 : memref<1x128xi32, #tpu.memory_space<vmem>> -> memref<128xi32, #tpu.memory_space<vmem>>
        %dma_wait3A_168 = arith.constant 0 : i32
        %dma_wait3A_169 = arith.constant 0 : i32
        %dma_wait3A_170 = tpu.memref_slice %arg2[%dma_wait3A_168, %dma_wait3A_169] : memref<10240x128xf32, #tpu.memory_space<hbm>> -> memref<10240x128xf32, #tpu.memory_space<hbm>>
        tpu.wait_indirect_dma semaphore(%arg12 : memref<!tpu.dma_semaphore, #tpu.memory_space<semaphore_mem>>) src(%dma_wait3A_170 : memref<10240x128xf32, #tpu.memory_space<hbm>>) dst(%arg9 : memref<128x128xf32, #tpu.memory_space<vmem>>)
        %dma_wait3A_171 = arith.constant 0 : i32
        %dma_wait3A_172 = tpu.memref_slice %arg7[%add3A_105, %dma_wait3A_171] : memref<16x128xi32, #tpu.memory_space<vmem>> -> memref<1x128xi32, #tpu.memory_space<vmem>>
        %dma_wait3A_173 = tpu.memref_squeeze %dma_wait3A_172 : memref<1x128xi32, #tpu.memory_space<vmem>> -> memref<128xi32, #tpu.memory_space<vmem>>
        %dma_wait3A_174 = arith.constant 0 : i32
        %dma_wait3A_175 = arith.constant 0 : i32
        %dma_wait3A_176 = tpu.memref_slice %arg10[%dma_wait3A_174, %dma_wait3A_175] : memref<10240x128xf32, #tpu.memory_space<vmem_shared>> -> memref<10240x128xf32, #tpu.memory_space<vmem_shared>>
        tpu.wait_indirect_dma semaphore(%arg13 : memref<!tpu.dma_semaphore, #tpu.memory_space<semaphore_mem>>) src(%arg8 : memref<128x128xf32, #tpu.memory_space<vmem>>) dst(%dma_wait3A_176 : memref<10240x128xf32, #tpu.memory_space<vmem_shared>>)
        %add3A_177 = arith.constant 2 : i32
        %add3A_178 = arith.addi %add3A_105, %add3A_177 : i32
        %lt3A = arith.constant 16 : i32
        %lt3A_179 = arith.cmpi slt, %add3A_178, %lt3A : i32
        %convert_element_type3A = arith.extui %lt3A_179 : i1 to i32
        %cond3A = arith.constant 0 : i32
        %cond3A_180 = arith.cmpi ne, %convert_element_type3A, %cond3A : i32
        scf.if %cond3A_180 {
          %add3A_195 = arith.constant 2 : i32
          %add3A_196 = arith.addi %add3A_105, %add3A_195 : i32
          %dma_start3A_197 = arith.constant 0 : i32
          %dma_start3A_198 = arith.constant 0 : i32
          %dma_start3A_199 = tpu.memref_slice %arg8[%dma_start3A_197, %dma_start3A_198] : memref<128x128xf32, #tpu.memory_space<vmem>> -> memref<32x128xf32, #tpu.memory_space<vmem>>
          %dma_start3A_200 = arith.constant 0 : i32
          %dma_start3A_201 = tpu.memref_slice %arg6[%add3A_196, %dma_start3A_200] : memref<16x128xi32, #tpu.memory_space<vmem>> -> memref<1x128xi32, #tpu.memory_space<vmem>>
          %dma_start3A_202 = tpu.memref_squeeze %dma_start3A_201 : memref<1x128xi32, #tpu.memory_space<vmem>> -> memref<128xi32, #tpu.memory_space<vmem>>
          %dma_start3A_203 = arith.constant 0 : i32
          %dma_start3A_204 = tpu.memref_slice %dma_start3A_202[%dma_start3A_203] : memref<128xi32, #tpu.memory_space<vmem>> -> memref<32xi32, #tpu.memory_space<vmem>>
          %dma_start3A_205 = arith.constant 0 : i32
          %dma_start3A_206 = arith.constant 0 : i32
          %dma_start3A_207 = tpu.memref_slice %arg2[%dma_start3A_205, %dma_start3A_206] : memref<10240x128xf32, #tpu.memory_space<hbm>> -> memref<10240x128xf32, #tpu.memory_space<hbm>>
          tpu.enqueue_indirect_dma source(%dma_start3A_207 : memref<10240x128xf32, #tpu.memory_space<hbm>>) target(%dma_start3A_199 : memref<32x128xf32, #tpu.memory_space<vmem>>) offsets(%dma_start3A_204 : memref<32xi32, #tpu.memory_space<vmem>>) semaphore(%arg11 : memref<!tpu.dma_semaphore, #tpu.memory_space<semaphore_mem>>)
          %dma_start3A_208 = arith.constant 32 : i32
          %dma_start3A_209 = arith.constant 0 : i32
          %dma_start3A_210 = tpu.memref_slice %arg8[%dma_start3A_208, %dma_start3A_209] : memref<128x128xf32, #tpu.memory_space<vmem>> -> memref<32x128xf32, #tpu.memory_space<vmem>>
          %dma_start3A_211 = arith.constant 0 : i32
          %dma_start3A_212 = tpu.memref_slice %arg6[%add3A_196, %dma_start3A_211] : memref<16x128xi32, #tpu.memory_space<vmem>> -> memref<1x128xi32, #tpu.memory_space<vmem>>
          %dma_start3A_213 = tpu.memref_squeeze %dma_start3A_212 : memref<1x128xi32, #tpu.memory_space<vmem>> -> memref<128xi32, #tpu.memory_space<vmem>>
          %dma_start3A_214 = arith.constant 32 : i32
          %dma_start3A_215 = tpu.memref_slice %dma_start3A_213[%dma_start3A_214] : memref<128xi32, #tpu.memory_space<vmem>> -> memref<32xi32, #tpu.memory_space<vmem>>
          %dma_start3A_216 = arith.constant 0 : i32
          %dma_start3A_217 = arith.constant 0 : i32
          %dma_start3A_218 = tpu.memref_slice %arg2[%dma_start3A_216, %dma_start3A_217] : memref<10240x128xf32, #tpu.memory_space<hbm>> -> memref<10240x128xf32, #tpu.memory_space<hbm>>
          tpu.enqueue_indirect_dma source(%dma_start3A_218 : memref<10240x128xf32, #tpu.memory_space<hbm>>) target(%dma_start3A_210 : memref<32x128xf32, #tpu.memory_space<vmem>>) offsets(%dma_start3A_215 : memref<32xi32, #tpu.memory_space<vmem>>) semaphore(%arg11 : memref<!tpu.dma_semaphore, #tpu.memory_space<semaphore_mem>>)
          %dma_start3A_219 = arith.constant 64 : i32
          %dma_start3A_220 = arith.constant 0 : i32
          %dma_start3A_221 = tpu.memref_slice %arg8[%dma_start3A_219, %dma_start3A_220] : memref<128x128xf32, #tpu.memory_space<vmem>> -> memref<32x128xf32, #tpu.memory_space<vmem>>
          %dma_start3A_222 = arith.constant 0 : i32
          %dma_start3A_223 = tpu.memref_slice %arg6[%add3A_196, %dma_start3A_222] : memref<16x128xi32, #tpu.memory_space<vmem>> -> memref<1x128xi32, #tpu.memory_space<vmem>>
          %dma_start3A_224 = tpu.memref_squeeze %dma_start3A_223 : memref<1x128xi32, #tpu.memory_space<vmem>> -> memref<128xi32, #tpu.memory_space<vmem>>
          %dma_start3A_225 = arith.constant 64 : i32
          %dma_start3A_226 = tpu.memref_slice %dma_start3A_224[%dma_start3A_225] : memref<128xi32, #tpu.memory_space<vmem>> -> memref<32xi32, #tpu.memory_space<vmem>>
          %dma_start3A_227 = arith.constant 0 : i32
          %dma_start3A_228 = arith.constant 0 : i32
          %dma_start3A_229 = tpu.memref_slice %arg2[%dma_start3A_227, %dma_start3A_228] : memref<10240x128xf32, #tpu.memory_space<hbm>> -> memref<10240x128xf32, #tpu.memory_space<hbm>>
          tpu.enqueue_indirect_dma source(%dma_start3A_229 : memref<10240x128xf32, #tpu.memory_space<hbm>>) target(%dma_start3A_221 : memref<32x128xf32, #tpu.memory_space<vmem>>) offsets(%dma_start3A_226 : memref<32xi32, #tpu.memory_space<vmem>>) semaphore(%arg11 : memref<!tpu.dma_semaphore, #tpu.memory_space<semaphore_mem>>)
          %dma_start3A_230 = arith.constant 96 : i32
          %dma_start3A_231 = arith.constant 0 : i32
          %dma_start3A_232 = tpu.memref_slice %arg8[%dma_start3A_230, %dma_start3A_231] : memref<128x128xf32, #tpu.memory_space<vmem>> -> memref<32x128xf32, #tpu.memory_space<vmem>>
          %dma_start3A_233 = arith.constant 0 : i32
          %dma_start3A_234 = tpu.memref_slice %arg6[%add3A_196, %dma_start3A_233] : memref<16x128xi32, #tpu.memory_space<vmem>> -> memref<1x128xi32, #tpu.memory_space<vmem>>
          %dma_start3A_235 = tpu.memref_squeeze %dma_start3A_234 : memref<1x128xi32, #tpu.memory_space<vmem>> -> memref<128xi32, #tpu.memory_space<vmem>>
          %dma_start3A_236 = arith.constant 96 : i32
          %dma_start3A_237 = tpu.memref_slice %dma_start3A_235[%dma_start3A_236] : memref<128xi32, #tpu.memory_space<vmem>> -> memref<32xi32, #tpu.memory_space<vmem>>
          %dma_start3A_238 = arith.constant 0 : i32
          %dma_start3A_239 = arith.constant 0 : i32
          %dma_start3A_240 = tpu.memref_slice %arg2[%dma_start3A_238, %dma_start3A_239] : memref<10240x128xf32, #tpu.memory_space<hbm>> -> memref<10240x128xf32, #tpu.memory_space<hbm>>
          tpu.enqueue_indirect_dma source(%dma_start3A_240 : memref<10240x128xf32, #tpu.memory_space<hbm>>) target(%dma_start3A_232 : memref<32x128xf32, #tpu.memory_space<vmem>>) offsets(%dma_start3A_237 : memref<32xi32, #tpu.memory_space<vmem>>) semaphore(%arg11 : memref<!tpu.dma_semaphore, #tpu.memory_space<semaphore_mem>>)
        } else {
        }
        %add3A_181 = arith.constant 1 : i32
        %add3A_182 = arith.addi %add3A_105, %add3A_181 : i32
        %dma_start3A_183 = arith.constant 0 : i32
        %dma_start3A_184 = tpu.memref_slice %arg7[%add3A_182, %dma_start3A_183] : memref<16x128xi32, #tpu.memory_space<vmem>> -> memref<1x128xi32, #tpu.memory_space<vmem>>
        %dma_start3A_185 = tpu.memref_squeeze %dma_start3A_184 : memref<1x128xi32, #tpu.memory_space<vmem>> -> memref<128xi32, #tpu.memory_space<vmem>>
        %dma_start3A_186 = arith.constant 0 : i32
        %dma_start3A_187 = arith.constant 0 : i32
        %dma_start3A_188 = tpu.memref_slice %arg10[%dma_start3A_186, %dma_start3A_187] : memref<10240x128xf32, #tpu.memory_space<vmem_shared>> -> memref<10240x128xf32, #tpu.memory_space<vmem_shared>>
        tpu.enqueue_indirect_dma source(%arg9 : memref<128x128xf32, #tpu.memory_space<vmem>>) target(%dma_start3A_188 : memref<10240x128xf32, #tpu.memory_space<vmem_shared>>) offsets(%dma_start3A_185 : memref<128xi32, #tpu.memory_space<vmem>>) semaphore(%arg14 : memref<!tpu.dma_semaphore, #tpu.memory_space<semaphore_mem>>) {add = true}
        %dma_wait3A_189 = arith.constant 0 : i32
        %dma_wait3A_190 = tpu.memref_slice %arg7[%add3A_182, %dma_wait3A_189] : memref<16x128xi32, #tpu.memory_space<vmem>> -> memref<1x128xi32, #tpu.memory_space<vmem>>
        %dma_wait3A_191 = tpu.memref_squeeze %dma_wait3A_190 : memref<1x128xi32, #tpu.memory_space<vmem>> -> memref<128xi32, #tpu.memory_space<vmem>>
        %dma_wait3A_192 = arith.constant 0 : i32
        %dma_wait3A_193 = arith.constant 0 : i32
        %dma_wait3A_194 = tpu.memref_slice %arg10[%dma_wait3A_192, %dma_wait3A_193] : memref<10240x128xf32, #tpu.memory_space<vmem_shared>> -> memref<10240x128xf32, #tpu.memory_space<vmem_shared>>
        tpu.wait_indirect_dma semaphore(%arg14 : memref<!tpu.dma_semaphore, #tpu.memory_space<semaphore_mem>>) src(%arg9 : memref<128x128xf32, #tpu.memory_space<vmem>>) dst(%dma_wait3A_194 : memref<10240x128xf32, #tpu.memory_space<vmem_shared>>)
      }
      %scan3A_100 = arith.constant 8 : i32
    }
    %barrier3A_35 = arith.constant 0 : index
    tpu.barrier barrier_id(%barrier3A_35)
    %mul3A_36 = arith.constant 640 : i32
    %mul3A_37 = arith.muli %arg1, %mul3A_36 : i32
    %mul3A_38 = arith.constant 10240 : i32
    %mul3A_39 = arith.muli %arg0, %mul3A_38 : i32
    %mul3A_40 = arith.constant 640 : i32
    %mul3A_41 = arith.muli %arg1, %mul3A_40 : i32
    %add3A_42 = arith.addi %mul3A_39, %mul3A_41 : i32
    "tpu.region"() ({
      %run_scoped3A = tpu.sem_alloc : memref<!tpu.dma_semaphore, #tpu.memory_space<semaphore_mem>>
      %dma_start3A = arith.constant 0 : i32
      %dma_start3A_43 = tpu.memref_slice %arg5[%add3A_42, %dma_start3A] : memref<20480x128xf32, #tpu.memory_space<hbm>> -> memref<640x128xf32, #tpu.memory_space<hbm>>
      %dma_start3A_44 = arith.constant 0 : i32
      %dma_start3A_45 = tpu.memref_slice %arg10[%mul3A_37, %dma_start3A_44] : memref<10240x128xf32, #tpu.memory_space<vmem_shared>> -> memref<640x128xf32, #tpu.memory_space<vmem_shared>>
      tpu.enqueue_dma source(%dma_start3A_45 : memref<640x128xf32, #tpu.memory_space<vmem_shared>>) target(%dma_start3A_43 : memref<640x128xf32, #tpu.memory_space<hbm>>) target_semaphore(%run_scoped3A : memref<!tpu.dma_semaphore, #tpu.memory_space<semaphore_mem>>)
      %dma_wait3A = arith.constant 0 : i32
      %dma_wait3A_46 = tpu.memref_slice %arg5[%add3A_42, %dma_wait3A] : memref<20480x128xf32, #tpu.memory_space<hbm>> -> memref<640x128xf32, #tpu.memory_space<hbm>>
      %dma_wait3A_47 = arith.constant 0 : i32
      %dma_wait3A_48 = tpu.memref_slice %arg10[%mul3A_37, %dma_wait3A_47] : memref<10240x128xf32, #tpu.memory_space<vmem_shared>> -> memref<640x128xf32, #tpu.memory_space<vmem_shared>>
      tpu.wait_dma2 semaphore(%run_scoped3A : memref<!tpu.dma_semaphore, #tpu.memory_space<semaphore_mem>>) src(%dma_wait3A_48 : memref<640x128xf32, #tpu.memory_space<vmem_shared>>) dst(%dma_wait3A_46 : memref<640x128xf32, #tpu.memory_space<hbm>>)
      tpu.yield
    }) : () -> ()
    return
  }
}

module attributes {stable_mosaic.version = 14 : i64} {
  func.func @_mm_body(%arg0: i32, %arg1: memref<1024x128xf32, #tpu.memory_space<vmem>>, %arg2: memref<128x128xf32, #tpu.memory_space<vmem>>, %arg3: memref<1024x128xf32, #tpu.memory_space<vmem>>) attributes {dimension_semantics = [#tpu.dimension_semantics<arbitrary>], iteration_bounds = array<i64: 10>, scalar_prefetch = 0 : i64, scratch_operands = 0 : i64, tpu.core_type = #tpu.core_type<tc>, window_params = [{transform_indices = @transform_0, window_bounds = array<i64: 1024, 128>}, {pipeline_mode = #tpu.pipeline_mode<synchronous>, transform_indices = @transform_1, window_bounds = array<i64: 128, 128>}, {transform_indices = @transform_2, window_bounds = array<i64: 1024, 128>}]} {
    %get3A = arith.constant 0 : index
    %get3A_0 = arith.constant 0 : index
    %get3A_1 = vector.load %arg1[%get3A, %get3A_0] : memref<1024x128xf32, #tpu.memory_space<vmem>>, vector<1024x128xf32>
    %get3A_2 = arith.constant 0 : index
    %get3A_3 = arith.constant 0 : index
    %get3A_4 = vector.load %arg2[%get3A_2, %get3A_3] : memref<128x128xf32, #tpu.memory_space<vmem>>, vector<128x128xf32>
    %dot_general3A = arith.constant dense<0.000000e+00> : vector<1024x128xf32>
    %dot_general3A_5 = tpu.matmul %get3A_1, %get3A_4, %dot_general3A {dimension_numbers = #tpu.dot_dimension_numbers<[1], [0], [0], [1], [0, 0, 1, 1], [], []>, transpose_lhs_hint = false} : vector<1024x128xf32>, vector<128x128xf32>, vector<1024x128xf32> -> vector<1024x128xf32>
    %swap3A = arith.constant 0 : index
    %swap3A_6 = arith.constant 0 : index
    %swap3A_7 = vector.load %arg3[%swap3A, %swap3A_6] : memref<1024x128xf32, #tpu.memory_space<vmem>>, vector<1024x128xf32>
    tpu.vector_store %arg3[%swap3A, %swap3A_6], %dot_general3A_5 {strides = array<i32>} : memref<1024x128xf32, #tpu.memory_space<vmem>>, vector<1024x128xf32>,
    return
  }
  func.func @transform_0(%arg0: i32) -> (i32, i32) {
    %c0_i32 = arith.constant 0 : i32
    %c0_i32_0 = arith.constant 0 : i32
    return %arg0, %c0_i32 : i32, i32
  }
  func.func @transform_1(%arg0: i32) -> (i32, i32) {
    %c0_i32 = arith.constant 0 : i32
    %c0_i32_0 = arith.constant 0 : i32
    %c0_i32_1 = arith.constant 0 : i32
    return %c0_i32, %c0_i32_0 : i32, i32
  }
  func.func @transform_2(%arg0: i32) -> (i32, i32) {
    %c0_i32 = arith.constant 0 : i32
    %c0_i32_0 = arith.constant 0 : i32
    return %arg0, %c0_i32 : i32, i32
  }
}

module attributes {stable_mosaic.version = 14 : i64} {
  func.func @_scale_body(%arg0: i32, %arg1: memref<1024x128xf32, #tpu.memory_space<vmem>>, %arg2: memref<1024x1xf32, #tpu.memory_space<vmem>>, %arg3: memref<1024x1xf32, #tpu.memory_space<vmem>>, %arg4: memref<1024x128xf32, #tpu.memory_space<vmem>>) attributes {dimension_semantics = [#tpu.dimension_semantics<arbitrary>], iteration_bounds = array<i64: 10>, scalar_prefetch = 0 : i64, scratch_operands = 0 : i64, tpu.core_type = #tpu.core_type<tc>, window_params = [{transform_indices = @transform_0, window_bounds = array<i64: 1024, 128>}, {transform_indices = @transform_1, window_bounds = array<i64: 1024, 1>}, {transform_indices = @transform_2, window_bounds = array<i64: 1024, 1>}, {transform_indices = @transform_3, window_bounds = array<i64: 1024, 128>}]} {
    %get3A = arith.constant 0 : index
    %get3A_0 = arith.constant 0 : index
    %get3A_1 = vector.load %arg2[%get3A, %get3A_0] : memref<1024x1xf32, #tpu.memory_space<vmem>>, vector<1024x1xf32>
    %get3A_2 = arith.constant 0 : index
    %get3A_3 = arith.constant 0 : index
    %get3A_4 = vector.load %arg3[%get3A_2, %get3A_3] : memref<1024x1xf32, #tpu.memory_space<vmem>>, vector<1024x1xf32>
    %add3A = arith.addf %get3A_1, %get3A_4 : vector<1024x1xf32>
    %add3A_5 = arith.constant 1.000000e+00 : f32
    %add3A_6 = vector.broadcast %add3A_5 : f32 to vector<1024x1xf32>
    %add3A_7 = arith.addf %add3A, %add3A_6 : vector<1024x1xf32>
    %get3A_8 = arith.constant 0 : index
    %get3A_9 = arith.constant 0 : index
    %get3A_10 = vector.load %arg1[%get3A_8, %get3A_9] : memref<1024x128xf32, #tpu.memory_space<vmem>>, vector<1024x128xf32>
    %rsqrt3A = math.rsqrt %add3A_7 : vector<1024x1xf32>
    %mul3A = vector.broadcast %rsqrt3A : vector<1024x1xf32> to vector<1024x128xf32>
    %mul3A_11 = arith.mulf %get3A_10, %mul3A : vector<1024x128xf32>
    %swap3A = arith.constant 0 : index
    %swap3A_12 = arith.constant 0 : index
    %swap3A_13 = vector.load %arg4[%swap3A, %swap3A_12] : memref<1024x128xf32, #tpu.memory_space<vmem>>, vector<1024x128xf32>
    tpu.vector_store %arg4[%swap3A, %swap3A_12], %mul3A_11 {strides = array<i32>} : memref<1024x128xf32, #tpu.memory_space<vmem>>, vector<1024x128xf32>,
    return
  }
  func.func @transform_0(%arg0: i32) -> (i32, i32) {
    %c0_i32 = arith.constant 0 : i32
    %c0_i32_0 = arith.constant 0 : i32
    return %arg0, %c0_i32 : i32, i32
  }
  func.func @transform_1(%arg0: i32) -> (i32, i32) {
    %c0_i32 = arith.constant 0 : i32
    %c0_i32_0 = arith.constant 0 : i32
    return %arg0, %c0_i32 : i32, i32
  }
  func.func @transform_2(%arg0: i32) -> (i32, i32) {
    %c0_i32 = arith.constant 0 : i32
    %c0_i32_0 = arith.constant 0 : i32
    return %arg0, %c0_i32 : i32, i32
  }
  func.func @transform_3(%arg0: i32) -> (i32, i32) {
    %c0_i32 = arith.constant 0 : i32
    %c0_i32_0 = arith.constant 0 : i32
    return %arg0, %c0_i32 : i32, i32
  }
}

module attributes {stable_mosaic.version = 14 : i64} {
  func.func @_final_body(%arg0: i32, %arg1: memref<1024x128xf32, #tpu.memory_space<vmem>>, %arg2: memref<1024x128xf32, #tpu.memory_space<vmem>>, %arg3: memref<1024x128xf32, #tpu.memory_space<vmem>>, %arg4: memref<1024x1xf32, #tpu.memory_space<vmem>>, %arg5: memref<1024x1xf32, #tpu.memory_space<vmem>>, %arg6: memref<1x128xf32, #tpu.memory_space<vmem>>, %arg7: memref<1024x128xf32, #tpu.memory_space<vmem>>) attributes {dimension_semantics = [#tpu.dimension_semantics<arbitrary>], iteration_bounds = array<i64: 10>, scalar_prefetch = 0 : i64, scratch_operands = 0 : i64, tpu.core_type = #tpu.core_type<tc>, window_params = [{transform_indices = @transform_0, window_bounds = array<i64: 1024, 128>}, {transform_indices = @transform_1, window_bounds = array<i64: 1024, 128>}, {transform_indices = @transform_2, window_bounds = array<i64: 1024, 128>}, {transform_indices = @transform_3, window_bounds = array<i64: 1024, 1>}, {transform_indices = @transform_4, window_bounds = array<i64: 1024, 1>}, {pipeline_mode = #tpu.pipeline_mode<synchronous>, transform_indices = @transform_5, window_bounds = array<i64: 1, 128>}, {transform_indices = @transform_6, window_bounds = array<i64: 1024, 128>}]} {
    %get3A = arith.constant 0 : index
    %get3A_0 = arith.constant 0 : index
    %get3A_1 = vector.load %arg4[%get3A, %get3A_0] : memref<1024x1xf32, #tpu.memory_space<vmem>>, vector<1024x1xf32>
    %get3A_2 = arith.constant 0 : index
    %get3A_3 = arith.constant 0 : index
    %get3A_4 = vector.load %arg5[%get3A_2, %get3A_3] : memref<1024x1xf32, #tpu.memory_space<vmem>>, vector<1024x1xf32>
    %add3A = arith.addf %get3A_1, %get3A_4 : vector<1024x1xf32>
    %add3A_5 = arith.constant 1.000000e+00 : f32
    %add3A_6 = vector.broadcast %add3A_5 : f32 to vector<1024x1xf32>
    %add3A_7 = arith.addf %add3A, %add3A_6 : vector<1024x1xf32>
    %get3A_8 = arith.constant 0 : index
    %get3A_9 = arith.constant 0 : index
    %get3A_10 = vector.load %arg1[%get3A_8, %get3A_9] : memref<1024x128xf32, #tpu.memory_space<vmem>>, vector<1024x128xf32>
    %get3A_11 = arith.constant 0 : index
    %get3A_12 = arith.constant 0 : index
    %get3A_13 = vector.load %arg2[%get3A_11, %get3A_12] : memref<1024x128xf32, #tpu.memory_space<vmem>>, vector<1024x128xf32>
    %add3A_14 = arith.addf %get3A_10, %get3A_13 : vector<1024x128xf32>
    %get3A_15 = arith.constant 0 : index
    %get3A_16 = arith.constant 0 : index
    %get3A_17 = vector.load %arg3[%get3A_15, %get3A_16] : memref<1024x128xf32, #tpu.memory_space<vmem>>, vector<1024x128xf32>
    %add3A_18 = arith.addf %add3A_14, %get3A_17 : vector<1024x128xf32>
    %rsqrt3A = math.rsqrt %add3A_7 : vector<1024x1xf32>
    %mul3A = vector.broadcast %rsqrt3A : vector<1024x1xf32> to vector<1024x128xf32>
    %mul3A_19 = arith.mulf %add3A_18, %mul3A : vector<1024x128xf32>
    %get3A_20 = arith.constant 0 : index
    %get3A_21 = arith.constant 0 : index
    %get3A_22 = vector.load %arg6[%get3A_20, %get3A_21] : memref<1x128xf32, #tpu.memory_space<vmem>>, vector<1x128xf32>
    %add3A_23 = vector.broadcast %get3A_22 : vector<1x128xf32> to vector<1024x128xf32>
    %add3A_24 = arith.addf %mul3A_19, %add3A_23 : vector<1024x128xf32>
    %swap3A = arith.constant 0 : index
    %swap3A_25 = arith.constant 0 : index
    %swap3A_26 = vector.load %arg7[%swap3A, %swap3A_25] : memref<1024x128xf32, #tpu.memory_space<vmem>>, vector<1024x128xf32>
    tpu.vector_store %arg7[%swap3A, %swap3A_25], %add3A_24 {strides = array<i32>} : memref<1024x128xf32, #tpu.memory_space<vmem>>, vector<1024x128xf32>,
    return
  }
  func.func @transform_0(%arg0: i32) -> (i32, i32) {
    %c0_i32 = arith.constant 0 : i32
    %c0_i32_0 = arith.constant 0 : i32
    return %arg0, %c0_i32 : i32, i32
  }
  func.func @transform_1(%arg0: i32) -> (i32, i32) {
    %add3A = arith.constant 10 : i32
    %add3A_0 = arith.addi %arg0, %add3A : i32
    %c0_i32 = arith.constant 0 : i32
    %c0_i32_1 = arith.constant 0 : i32
    return %add3A_0, %c0_i32 : i32, i32
  }
  func.func @transform_2(%arg0: i32) -> (i32, i32) {
    %c0_i32 = arith.constant 0 : i32
    %c0_i32_0 = arith.constant 0 : i32
    return %arg0, %c0_i32 : i32, i32
  }
  func.func @transform_3(%arg0: i32) -> (i32, i32) {
    %c0_i32 = arith.constant 0 : i32
    %c0_i32_0 = arith.constant 0 : i32
    return %arg0, %c0_i32 : i32, i32
  }
  func.func @transform_4(%arg0: i32) -> (i32, i32) {
    %c0_i32 = arith.constant 0 : i32
    %c0_i32_0 = arith.constant 0 : i32
    return %arg0, %c0_i32 : i32, i32
  }
  func.func @transform_5(%arg0: i32) -> (i32, i32) {
    %c0_i32 = arith.constant 0 : i32
    %c0_i32_0 = arith.constant 0 : i32
    %c0_i32_1 = arith.constant 0 : i32
    return %c0_i32, %c0_i32_0 : i32, i32
  }
  func.func @transform_6(%arg0: i32) -> (i32, i32) {
    %c0_i32 = arith.constant 0 : i32
    %c0_i32_0 = arith.constant 0 : i32
    return %arg0, %c0_i32 : i32, i32
  }
}

</mosaic_0001>

<sc_bundles>
// kernel: kernel.10.cloned.1.call-start
scs
__scs_entry_jumppad:
0x0: {  	(pc) =	sbr.rel $0x88, $3  }
0x1: {  	(tag) =	ssettag $0x0;
	lr =	simm.s32 $0x1  }
0x2: {  	[smem:$0x3F9D] =	sst lr;
	_ =	strace $0xD0000000  }
0x3: {  	_ = 	snop  }
0x4: {  	_ = 	snop  }
0x5: {  	_ = 	snop  }
0x6: {  	_ = 	snop  }
0x7: {  	_ = 	snop  }
__scs_overlays_trampoline_lowered:
0x8: {  	[smem:$0x3FAC] =	sst s0  }
0x9: {  	[smem:$0x3FAD] =	sst s1  }
0xa: {  	[smem:$0x3FAE] =	sst s2  }
0xb: {  	[smem:$0x3FAF] =	sst s3  }
0xc: {  	[smem:$0x3FB0] =	sst s4  }
0xd: {  	[smem:$0x3FB1] =	sst s5  }
0xe: {  	[smem:$0x3FB2] =	sst s6  }
0xf: {  	[smem:$0x3FB3] =	sst s7  }
0x10: {  	[smem:$0x3FB4] =	sst s8  }
0x11: {  	[smem:$0x3FB5] =	sst s9;
	s0 =	simm.s32 @!p0 $0x0  }
0x12: {  	s1 =	sld [smem:$0x3F9B];
	s0 =	simm.s32 @p0 $0x1  }
0x13: {  	[smem:$0x3FB6] =	sst s0;
	s0 =	simm.s32 @!p1 $0x0  }
0x14: {  	s2 =	sld [smem:$0x3F9A];
	s0 =	simm.s32 @p1 $0x1  }
0x15: {  	[smem:$0x3FB7] =	sst s0;
	s0 =	simm.s32 @!p2 $0x0  }
0x16: {  	s3 =	sld [smem:$0x3FDB];
	s0 =	simm.s32 @p2 $0x1  }
0x17: {  	s4 =	simm.s32 $0x1BF5;
	[smem:$0x3FB9] =	sst s0  }
0x18: {  	s0 =	sld [smem:$0x3F9C];
	_ =	swait.ge [sflag:s4], $0x0  }
0x19: {  	s7 =	sld [smem:$0x3F9D]  }
0x1a: {  	s8 =	sadd.s32 $0xFFFFE003, lr  }
0x1b: {  	s9 =	sadd.s32 $0xFFFFFEF7, lr;
	s5 =	simm.s32 $0xFFFFFFFF;
	p2 =	slt.u32 s8, $0xFFFFF086  }
0x1c: {  	p1 =	slt.u32 s9, $0xF7A;
	s5 =	simm.s32 @!p2 $0x0  }
0x1d: {  	s5 =	simm.s32 @p1 $0x1;
	p0 =	seq.s32 s7, s2  }
0x1e: {  	s7 =	smul.u32 @!p0 $0xF7A, s2;
	p2 =	seq.s32 @!p0 s5, $0x0  }
0x1f: {  	s9 =	smul.u32 $0xF7A, s1;
	s8 =	simm.s32 @!p0 $0x1BF5;
	p2 =	por !p2, p0  }
0x20: {  	[sflag:s8] =	ssyncset.s32 @!p0 $0xFFFFF086;
	s6 =	sadd.s32 @!p0 s3, s7;
	s7 =	simm.s32 @!p0 $0x108  }
0x21: {  	s3 =	sadd.s32 s3, s9;
	s6 =	sadd.s32 @!p0 $0x88, s6;
	s7 =	simm.s32 @p2 $0x1082  }
0x22: {  	[simem:s7], [sflag:s8] =	dma.local @!p0 [hbm:s6], $0xF7A  }
0x23: {  	s9 =	sor.u32 $0xD0000000, s2;
	s6 =	simm.s32 $0x108;
	_ =	swait.ge @!p0 [sflag:s8], $0x0  }
0x24: {  	s3 =	sadd.s32 $0x88, s3;
	s6 =	simm.s32 @!p1 $0x1082;
	[sflag:s4] =	ssyncset.s32 $0xFFFFF086  }
0x25: {  	[simem:s6], [sflag:s4] =	dma.local [hbm:s3], $0xF7A  }
0x26: {  	[smem:$0x3F9D] =	sst s1;
	(tag) =	ssettag s2;
	_ =	strace s9  }
0x27: {  	s1 =	sld [smem:$0x3FAD]  }
0x28: {  	s2 =	sld [smem:$0x3FAE]  }
0x29: {  	s4 =	sld [smem:$0x3FB0]  }
0x2a: {  	p0 =	seq.s32 s5, $0x0;
	s5 =	sld [smem:$0x3FB1]  }
0x2b: {  	s6 =	sld [smem:$0x3FB2]  }
0x2c: {  	s7 =	sld [smem:$0x3FB3]  }
0x2d: {  	s3 =	simm.s32 $0x108;
	s8 =	sld [smem:$0x3FB4]  }
0x2e: {  	s3 =	simm.s32 @!p0 $0x1082;
	s9 =	sld [smem:$0x3FB5]  }
0x2f: {  	lr =	sadd.s32 s0, s3;
	s0 =	sld [smem:$0x3FAC]  }
0x30: {  	s3 =	sld [smem:$0x3FAF]  }
0x31: {  	[smem:$0x3FB8] =	sst s10  }
0x32: {  	s10 =	sld [smem:$0x3FB6];
	_ =	sdelay $0x3  }
0x33: {  	p0 =	seq.s32 s10, $0x1;
	s10 =	sld [smem:$0x3FB8];
	_ =	sdelay $0x3  }
0x34: {  	[smem:$0x3FB8] =	sst s10  }
0x35: {  	s10 =	sld [smem:$0x3FB7];
	_ =	sdelay $0x3  }
0x36: {  	p1 =	seq.s32 s10, $0x1;
	s10 =	sld [smem:$0x3FB8];
	_ =	sdelay $0x3  }
0x37: {  	[smem:$0x3FB8] =	sst s10  }
0x38: {  	s10 =	sld [smem:$0x3FB9]  }
0x39: {  	_ = 	snop;
	(pc) =	sbr.ind lr, $3  }
0x3a: {  	_ = 	snop  }
0x3b: {  	_ = 	snop  }
0x3c: {  	p2 =	seq.s32 s10, $0x1;
	s10 =	sld [smem:$0x3FB8]  }
0x3d: {  	_ =	shalt  }
0x3e: {  	_ =	shalt  }
0x3f: {  	_ =	shalt  }
0x40: {  	_ =	shalt  }
0x41: {  	_ =	shalt  }
0x42: {  	_ =	shalt  }
0x43: {  	_ =	shalt  }
0x44: {  	_ =	shalt  }
0x45: {  	_ =	shalt  }
0x46: {  	_ =	shalt  }
0x47: {  	_ =	shalt  }
0x48: {  	_ =	shalt  }
0x49: {  	_ =	shalt  }
0x4a: {  	_ =	shalt  }
0x4b: {  	_ =	shalt  }
0x4c: {  	_ =	shalt  }
0x4d: {  	_ =	shalt  }
0x4e: {  	_ =	shalt  }
0x4f: {  	_ =	shalt  }
0x50: {  	_ =	shalt  }
0x51: {  	_ =	shalt  }
0x52: {  	_ =	shalt  }
0x53: {  	_ =	shalt  }
0x54: {  	_ =	shalt  }
0x55: {  	_ =	shalt  }
0x56: {  	_ =	shalt  }
0x57: {  	_ =	shalt  }
0x58: {  	_ =	shalt  }
0x59: {  	_ =	shalt  }
0x5a: {  	_ =	shalt  }
0x5b: {  	_ =	shalt  }
0x5c: {  	_ =	shalt  }
0x5d: {  	_ =	shalt  }
0x5e: {  	_ =	shalt  }
0x5f: {  	_ =	shalt  }
0x60: {  	_ =	shalt  }
0x61: {  	_ =	shalt  }
0x62: {  	_ =	shalt  }
0x63: {  	_ =	shalt  }
0x64: {  	_ =	shalt  }
0x65: {  	_ =	shalt  }
0x66: {  	_ =	shalt  }
0x67: {  	_ =	shalt  }
0x68: {  	_ =	shalt  }
0x69: {  	_ =	shalt  }
0x6a: {  	_ =	shalt  }
0x6b: {  	_ =	shalt  }
0x6c: {  	_ =	shalt  }
0x6d: {  	_ =	shalt  }
0x6e: {  	_ =	shalt  }
0x6f: {  	_ =	shalt  }
0x70: {  	_ =	shalt  }
0x71: {  	_ =	shalt  }
0x72: {  	_ =	shalt  }
0x73: {  	_ =	shalt  }
0x74: {  	_ =	shalt  }
0x75: {  	_ =	shalt  }
0x76: {  	_ =	shalt  }
0x77: {  	_ =	shalt  }
0x78: {  	_ =	shalt  }
0x79: {  	_ =	shalt  }
0x7a: {  	_ =	shalt  }
0x7b: {  	_ =	shalt  }
0x7c: {  	_ =	shalt  }
0x7d: {  	_ =	shalt  }
0x7e: {  	_ =	shalt  }
0x7f: {  	_ =	shalt  }
0x80: {  	_ =	shalt  }
0x81: {  	_ =	shalt  }
0x82: {  	_ =	shalt  }
0x83: {  	_ =	shalt  }
0x84: {  	_ =	shalt  }
0x85: {  	_ =	shalt  }
0x86: {  	_ =	shalt  }
0x87: {  	_ =	shalt  }
.Lfunc_end0:
.L_simem_size_0:
called_computation.1_lowered:
.L_overlay_start_0:
0x88: {  	s2 =	sld [smem:$0x3FD9]  }
0x89: {  	s3 =	sld [smem:$0x3FFE];
	_ =	sdelay $0x1  }
0x8a: {  	s1 =	srdreg.scid  }
0x8b: {  	s0 =	sand.u32 $0x1, s1  }
0x8c: {  	s17 =	sshll.u32 s0, $0xA;
	s2 =	sadd.s32 s3, s2  }
0x8d: {  	s2 =	sadd.s32 s2, s17  }
0x8e: {  	[smem:$0x3FC4] =	sst s2  }
0x8f: {  	_ = 	snop  }
0x90: {  	s2 =	sld [smem:$0x3FD0];
	(tm) =	ssettm $0x1  }
0x91: {  	s18 =	sld [smem:$0x3FFB];
	_ =	sdelay $0x3  }
0x92: {  	_ =	strace s18  }
0x93: {  	s3 =	sld [smem:$0x3FFC];
	_ =	sdelay $0x3  }
0x94: {  	_ =	strace s3  }
0x95: {  	s3 =	sld [smem:$0x3FFD];
	_ =	sdelay $0x3  }
0x96: {  	_ =	strace s3  }
0x97: {  	_ =	strace $0x8FFFFFFF  }
0x98: {  	s19 =	sld [smem:$0x3FDB];
	_ =	sdelay $0x1  }
0x99: {  	s4 =	simm.s32 $_scs_section_size  }
0x9a: {  	s5 =	simm.s32 $_size__tile_overlayer_lowered;
	s6 =	simm.s32 $_tile_overlayer_lowered  }
0x9b: {  	s22 =	simm.s32 $0x1BFF;
	s21 =	sshll.u32 s6, $0x1;
	s3 =	sadd.s32 s4, s19  }
0x9c: {  	s7 =	simm.s32 $0x0;
	s20 =	sshll.u32 s5, $0x1;
	s5 =	sadd.s32 s21, s3  }
0x9d: {  	[timem:s7], [sflag:s22] =	dma.local [hbm:s5], s20  }
0x9e: {  	_ =	swait.ge [sflag:s22], s20  }
0x9f: {  	s4 =	ssub.s32 $0x0, s20;
	[sflag:s22] =	ssyncset.done $0x0  }
0xa0: {  	[sflag:s22] =	ssyncadd.s32 s4;
	_ =	sdelay $0x1  }
0xa1: {  	s23 =	simm.s32 $0x1B8B  }
0xa2: {  	_ =	swait.ge [sflag:s23], $0x1  }
0xa3: {  	[sflag:s23] =	ssyncset.done $0x0  }
0xa4: {  	s25 =	simm.s32 $0x1B8E;
	s24 =	sld [smem:$0x3FFE];
	[sflag:s23] =	ssyncadd.s32 $0xFFFFFFFF  }
0xa5: {  	s26 =	simm.s32 $execute0_lowered;
	[smem:$0x3FD2] =	sst s25  }
0xa6: {  	s5 =	sshll.u32 s26, $0x1;
	_ =	strace $0x80000049;
	[dreg:$0x1] =	wrdreg $0xFFFFFFFF  }
0xa7: {  	s28 =	simm.s32 $_size_execute0_lowered;
	s3 =	sadd.s32 s3, s5;
	[dreg:$0x0] =	wrdreg $0x0  }
0xa8: {  	s5 =	sshll.u32 s28, $0x1;
	[dreg:$0x2] =	wrdreg s3  }
0xa9: {  	[dreg:$0x3] =	wrdreg s5  }
0xaa: {  	[dreg:$0x4] =	wrdreg $0xC0  }
0xab: {  	_ =	task [dreg:s7], $0x5FFFF  }
0xac: {  	[dreg:$0x1] =	wrdreg $0xFFFFFFFF  }
0xad: {  	[dreg:$0x0] =	wrdreg $0x60  }
0xae: {  	[dreg:$0x2] =	wrdreg s24  }
0xaf: {  	[dreg:$0x3] =	wrdreg s2  }
0xb0: {  	[dreg:$0x4] =	wrdreg $0x90000  }
0xb1: {  	[dreg:$0x5] =	wrdreg $0x9  }
0xb2: {  	_ =	task.clear_ibuf [dreg:s7], $0x6FFFF;
	_ =	strace $0x90000049  }
0xb3: {  	s29 =	simm.s32 $0x9;
	_ =	strace $0x8000004B  }
0xb4: {  	_ =	swait.ge [sflag:s29], $0x1  }
0xb5: {  	[sflag:s29] =	ssyncadd.s32 $0xFFFFFFFF  }
0xb6: {  	_ =	strace $0x9000004B  }
0xb7: {  	_ =	sfence  }
0xb8: {  	s30 =	sld [smem:$0x0];
	_ =	sdelay $0x2  }
0xb9: {  	s31 =	sshll.u32 s1, $0xD;
	s1 =	sshrl.u32 s1, $0x2  }
0xba: {  	s3 =	sand.u32 $0x4000, s31;
	s1 =	sadd.s32 s1, s30  }
0xbb: {  	s0 =	sor.u32 s3, s0;
	s1 =	sshll.u32 s1, $0x11  }
0xbc: {  	s0 =	sor.u32 s1, s0  }
0xbd: {  	s0 =	sadd.s32 $0x8F2B, s0  }
0xbe: {  	[sflag:s0] =	ssyncadd.remote.s32 $0x1  }
0xbf: {  	_ =	sfence.sel $0xFFFF  }
0xc0: {  	[dreg:$0x0] =	wrdreg $0xFFFFFFFF;
	(pc) =	sbr.abs _section_cstart, $3  }
0xc1: {  	[dreg:$0x1] =	wrdreg $0xFFFFFFFF  }
0xc2: {  	_ =	task.clear_ibuf [dreg:s7], $0x2FFFF;
	_ =	strace $0x9FFFFFFF  }
0xc3: {  	(tm) =	ssettm $0x7FFFFFFF  }
tec
execute0_lowered:
.L_overlay_start_1:
0x0: {  	(tag) =	ssettag $0x1  }
0x1: {  	s0 =	rddreg [dreg:$0x0]  }
0x2: {  	s2 =	rddreg [dreg:$0x1]  }
0x3: {  	s1 =	rddreg [dreg:$0x2]  }
0x4: {  	s3 =	simm.s32 $0x0;
	s4 =	srdreg.scid;
	s9 =	stileid.u32  }
0x5: {  	s14 =	simm.s32 $0x1000;
	s15 =	simm.s32 $0x5;
	s16 =	simm.s32 $0x800  }
0x6: {  	s17 =	simm.s32 $0x20;
	s18 =	simm.s32 $0x2000;
	s28 =	simm.s32 $0x6000  }
0x7: {  	s30 =	simm.s32 $0x7000;
	s12 =	simm.s32 $0x4;
	s29 =	simm.s32 $0x7A0  }
0x8: {  	s13 =	simm.s32 $0xF80;
	s5 =	sand.u32 $0x1, s4;
	s4 =	smul.u32 $0x90, s9  }
0x9: {  	[smem:$0x7FF] =	sst s3;
	s6 =	sshll.u32 s9, $0x4;
	s8 =	smul.u32 $0x2800, s9  }
0xa: {  	s9 =	smul.u32 $0x50000, s9;
	p0 =	seq.s32 s5, $0x0;
	s6 =	sor.u32 $0x900, s6  }
0xb: {  	s7 =	smul.u32 $0x28000, s5;
	_ =	strace $0x8000004A;
	s11 =	ssub.s32 $0x2, s5  }
0xc: {  	s6 =	smov.u32 @p0 s4;
	s4 =	sadd.s32 $0xB800, s0;
	s19 =	sshrl.u32 s11, $0x1  }
0xd: {  	s9 =	sshrl.u32 s9, $0x2;
	p0 =	sne.s32 s5, $0x0;
	s5 =	simm.s32 $0x0  }
0xe: {  	s6 =	sshll.u32 s6, $0x4;
	s7 =	sadd.s32 s8, s7;
	s20 =	ssub.s32 s11, s19  }
0xf: {  	s9 =	sadd.s32 s9, s1;
	s19 =	simm.s32 $0x760;
	s11 =	simm.s32 $0xF00  }
0x10: {  	s10 =	sadd.s32 s6, s0;
	s21 =	smax.u32 s20, $0x1;
	[dreg:$0x4] =	wrdreg s9  }
0x11: {  	s0 =	sadd.s32 s7, s0;
	s22 =	sadd.s32 $0x4000, s9;
	[dreg:$0x6] =	wrdreg s21  }
0x12: {  	s23 =	sadd.s32 $0x8000, s9;
	s24 =	sadd.s32 $0xC000, s9;
	[dreg:$0x7] =	wrdreg s22  }
0x13: {  	s25 =	sadd.s32 $0x10000, s9;
	s26 =	sadd.s32 s6, s2;
	[dreg:$0x8] =	wrdreg s23  }
0x14: {  	s20 =	simm.s32 $0x3000;
	s2 =	simm.s32 $0x2;
	[dreg:$0x9] =	wrdreg s24  }
0x15: {  	s6 =	simm.s32 $0x3;
	s0 =	sadd.s32 $0x33800, s0;
	[dreg:$0xa] =	wrdreg s25  }
0x16: {  	[dreg:$0xb] =	wrdreg s26;
	s31 =	sadd.s32 $0x1800, s10;
	s22 =	simm.s32 $0x4000  }
0x17: {  	s23 =	simm.s32 $0x1;
	s24 =	simm.s32 $0x80;
	s25 =	simm.s32 $0x5000  }
0x18: {  	s21 =	simm.s32 $0xE80;
	s26 =	simm.s32 $0x780;
	[dreg:$0x5] =	wrdreg s0  }
0x19: {  	v0 =	vimm.f32 $0.0e+00;
	s10 =	simm.s32 $0x7E0;
	[dreg:$0xc] =	wrdreg s31;
	s0 =	simm.s32 $0x8000  }
.LBB2_1:
0x1a: {  	[dreg:$0xd] =	wrdreg s5;
	s7 =	simm.s32 $0x0;
	s8 =	simm.s32 $0x200  }
.LBB2_2:
0x1b: {  	p1 =	sne.s32 s8, $0xFE00;
	[tilespmem:s7+$0x1070] =	vst v0  }
0x1c: {  	[tilespmem:s7+$0x1000] =	vst v0  }
0x1d: {  	[tilespmem:s7+$0x1010] =	vst v0  }
.Ltmp0:
0x1e: {  	[tilespmem:s7+$0x1020] =	vst v0;
	(pc) =	sbr.rel @p1 .LBB2_2-.Ltmp0, $4  }
0x1f: {  	[tilespmem:s7+$0x1030] =	vst v0  }
0x20: {  	[tilespmem:s7+$0x1040] =	vst v0  }
0x21: {  	[tilespmem:s7+$0x1050] =	vst v0  }
0x22: {  	[tilespmem:s7+$0x1060] =	vst v0;
	s7 =	sshra.s32 s8, $0x2;
	s8 =	sadd.s32 $0x200, s8  }
0x23: {  	[tilespmem:s7+$0x1070] =	vst v0  }
0x24: {  	[tilespmem:s7+$0x1000] =	vst v0  }
0x25: {  	[tilespmem:s7+$0x1010] =	vst v0  }
0x26: {  	[tilespmem:s7+$0x1020] =	vst v0  }
0x27: {  	[tilespmem:s7+$0x1030] =	vst v0  }
0x28: {  	[tilespmem:s7+$0x1040] =	vst v0  }
0x29: {  	[tilespmem:s7+$0x1050] =	vst v0  }
0x2a: {  	[tilespmem:s7+$0x1060] =	vst v0  }
0x2b: {  	[spmem:s9] =	stream.linear.scatter [tilespmem:s14], [sflag:$0x5], $0x4000, $0x38;
	[tilespmem:$0x1D000] =	vst v63  }
0x2c: {  	_ =	swait.ge [sflag:s15], $0x4000  }
0x2d: {  	[sflag:s15] =	ssyncset.done $0x0  }
0x2e: {  	s9 =	rddreg [dreg:$0x7];
	[sflag:s15] =	ssyncadd.s32 $0xFFFFC000  }
0x2f: {  	[spmem:s9] =	stream.linear.scatter [tilespmem:s14], [sflag:$0x5], $0x4000, $0x38;
	[tilespmem:$0x1D000] =	vst v63  }
0x30: {  	_ =	swait.ge [sflag:s15], $0x4000  }
0x31: {  	[sflag:s15] =	ssyncset.done $0x0  }
0x32: {  	s5 =	rddreg [dreg:$0x8];
	[sflag:s15] =	ssyncadd.s32 $0xFFFFC000  }
0x33: {  	[spmem:s5] =	stream.linear.scatter [tilespmem:s14], [sflag:$0x5], $0x4000, $0x38;
	[tilespmem:$0x1D000] =	vst v63  }
0x34: {  	_ =	swait.ge [sflag:s15], $0x4000  }
0x35: {  	[sflag:s15] =	ssyncset.done $0x0  }
0x36: {  	s8 =	rddreg [dreg:$0x9];
	[sflag:s15] =	ssyncadd.s32 $0xFFFFC000  }
0x37: {  	[spmem:s8] =	stream.linear.scatter [tilespmem:s14], [sflag:$0x5], $0x4000, $0x38;
	[tilespmem:$0x1D000] =	vst v63  }
0x38: {  	_ =	swait.ge [sflag:s15], $0x4000  }
0x39: {  	[sflag:s15] =	ssyncset.done $0x0  }
0x3a: {  	s9 =	rddreg [dreg:$0xa];
	[sflag:s15] =	ssyncadd.s32 $0xFFFFC000  }
0x3b: {  	[spmem:s9] =	stream.linear.scatter [tilespmem:s14], [sflag:$0x5], $0x4000, $0x38;
	[tilespmem:$0x1D000] =	vst v63  }
0x3c: {  	_ =	swait.ge [sflag:s15], $0x4000  }
0x3d: {  	[sflag:s15] =	ssyncset.done $0x0  }
0x3e: {  	[sflag:s15] =	ssyncadd.s32 $0xFFFFC000  }
0x3f: {  	[bflag:$0x0] =	sbarrier.arrive $0xFFFF  }
0x40: {  	s31 =	rddreg [dreg:$0xc]  }
0x41: {  	s8 =	simm.s32 $0x0;
	s9 =	simm.s32 $0x7C0;
	s7 =	rddreg [dreg:$0xb]  }
.LBB2_4:
0x42: {  	[tilespmem:s3], [sflag:$0x5] =	stream.linear.gather [hbm4b:s31+s3], $0x800, $0x38;
	[tilespmem:$0x1D000] =	vst v63  }
0x43: {  	_ =	swait.ge [sflag:s15], $0x800  }
0x44: {  	[sflag:s15] =	ssyncset.done $0x0  }
0x45: {  	[sflag:s15] =	ssyncadd.s32 $0xFFFFF800  }
0x46: {  	[tilespmem:s16], [sflag:$0x5] =	stream.linear.gather [hbm4b:s7+s3], $0x800, $0x38;
	[tilespmem:$0x1D000] =	vst v63  }
0x47: {  	_ =	swait.ge [sflag:s15], $0x800  }
0x48: {  	[sflag:s15] =	ssyncset.done $0x0  }
0x49: {  	[sflag:s15] =	ssyncadd.s32 $0xFFFFF800  }
0x4a: {  	[tilespmem:s14], [sflag:$0x1] =	stream.indirect.gather [hbm4b:s4+s17], $0x80, s3, s17, $0xb8;
	[tilespmem:$0x1D000] =	vst v63  }
0x4b: {  	_ = 	snop  }
0x4c: {  	[tilespmem:s18], [sflag:$0x1] =	stream.indirect.gather [hbm4b:s4+s17], $0x80, s17, s17, $0xb8;
	[tilespmem:$0x1D000] =	vst v63  }
0x4d: {  	s5 =	simm.s32 $0x40  }
0x4e: {  	[tilespmem:s20], [sflag:$0x1] =	stream.indirect.gather [hbm4b:s4+s17], $0x80, s5, s17, $0xb8;
	[tilespmem:$0x1D000] =	vst v63  }
0x4f: {  	s5 =	simm.s32 $0x60  }
0x50: {  	[tilespmem:s22], [sflag:$0x1] =	stream.indirect.gather [hbm4b:s4+s17], $0x80, s5, s17, $0xb8;
	[tilespmem:$0x1D000] =	vst v63  }
0x51: {  	_ =	swait.ge [sflag:s23], $0x4000  }
0x52: {  	[sflag:s23] =	ssyncset.done $0x0  }
0x53: {  	[sflag:s23] =	ssyncadd.s32 $0xFFFFC000  }
0x54: {  	[tilespmem:s25], [sflag:$0x2] =	stream.indirect.gather [hbm4b:s4+s17], $0x80, s24, s17, $0xb8;
	[tilespmem:$0x1D000] =	vst v63  }
0x55: {  	s5 =	simm.s32 $0xA0  }
0x56: {  	[tilespmem:s28], [sflag:$0x2] =	stream.indirect.gather [hbm4b:s4+s17], $0x80, s5, s17, $0xb8;
	[tilespmem:$0x1D000] =	vst v63  }
0x57: {  	s5 =	simm.s32 $0xC0  }
0x58: {  	[tilespmem:s30], [sflag:$0x2] =	stream.indirect.gather [hbm4b:s4+s17], $0x80, s5, s17, $0xb8;
	[tilespmem:$0x1D000] =	vst v63  }
0x59: {  	s5 =	simm.s32 $0xE0  }
0x5a: {  	[tilespmem:s0], [sflag:$0x2] =	stream.indirect.gather [hbm4b:s4+s17], $0x80, s5, s17, $0xb8;
	[tilespmem:$0x1D000] =	vst v63  }
0x5b: {  	s16 =	simm.s32 $0x800  }
0x5c: {  	[spmem:s1] =	stream.indirect.scatter.add.f32 [tilespmem:s14], [sflag:$0x3], $0x80, s16, s24, $0xb8;
	[tilespmem:$0x1D000] =	vst v63  }
0x5d: {  	_ =	swait.ge [sflag:s2], $0x4000  }
0x5e: {  	[sflag:s2] =	ssyncset.done $0x0  }
0x5f: {  	[sflag:s2] =	ssyncadd.s32 $0xFFFFC000  }
0x60: {  	_ =	swait.ge [sflag:s6], $0x4000  }
0x61: {  	[sflag:s6] =	ssyncset.done $0x0  }
0x62: {  	s5 =	simm.s32 $0x100;
	[sflag:s6] =	ssyncadd.s32 $0xFFFFC000  }
0x63: {  	[tilespmem:s14], [sflag:$0x1] =	stream.indirect.gather [hbm4b:s4+s17], $0x80, s5, s17, $0xb8;
	[tilespmem:$0x1D000] =	vst v63  }
0x64: {  	s5 =	simm.s32 $0x120  }
0x65: {  	[tilespmem:s18], [sflag:$0x1] =	stream.indirect.gather [hbm4b:s4+s17], $0x80, s5, s17, $0xb8;
	[tilespmem:$0x1D000] =	vst v63  }
0x66: {  	s5 =	simm.s32 $0x140  }
0x67: {  	[tilespmem:s20], [sflag:$0x1] =	stream.indirect.gather [hbm4b:s4+s17], $0x80, s5, s17, $0xb8;
	[tilespmem:$0x1D000] =	vst v63  }
0x68: {  	s5 =	simm.s32 $0x160  }
0x69: {  	[tilespmem:s22], [sflag:$0x1] =	stream.indirect.gather [hbm4b:s4+s17], $0x80, s5, s17, $0xb8;
	[tilespmem:$0x1D000] =	vst v63  }
0x6a: {  	s5 =	simm.s32 $0x880  }
0x6b: {  	[spmem:s1] =	stream.indirect.scatter.add.f32 [tilespmem:s25], [sflag:$0x4], $0x80, s5, s24, $0xb8;
	[tilespmem:$0x1D000] =	vst v63  }
0x6c: {  	_ =	swait.ge [sflag:s12], $0x4000  }
0x6d: {  	[sflag:s12] =	ssyncset.done $0x0  }
0x6e: {  	[sflag:s12] =	ssyncadd.s32 $0xFFFFC000  }
0x6f: {  	_ =	swait.ge [sflag:s23], $0x4000  }
0x70: {  	[sflag:s23] =	ssyncset.done $0x0  }
0x71: {  	s5 =	simm.s32 $0x180;
	[sflag:s23] =	ssyncadd.s32 $0xFFFFC000  }
0x72: {  	[tilespmem:s25], [sflag:$0x2] =	stream.indirect.gather [hbm4b:s4+s17], $0x80, s5, s17, $0xb8;
	[tilespmem:$0x1D000] =	vst v63  }
0x73: {  	s5 =	simm.s32 $0x1A0  }
0x74: {  	[tilespmem:s28], [sflag:$0x2] =	stream.indirect.gather [hbm4b:s4+s17], $0x80, s5, s17, $0xb8;
	[tilespmem:$0x1D000] =	vst v63  }
0x75: {  	s5 =	simm.s32 $0x1C0  }
0x76: {  	[tilespmem:s30], [sflag:$0x2] =	stream.indirect.gather [hbm4b:s4+s17], $0x80, s5, s17, $0xb8;
	[tilespmem:$0x1D000] =	vst v63  }
0x77: {  	s5 =	simm.s32 $0x1E0  }
0x78: {  	[tilespmem:s0], [sflag:$0x2] =	stream.indirect.gather [hbm4b:s4+s17], $0x80, s5, s17, $0xb8;
	[tilespmem:$0x1D000] =	vst v63  }
0x79: {  	s5 =	simm.s32 $0x900  }
0x7a: {  	[spmem:s1] =	stream.indirect.scatter.add.f32 [tilespmem:s14], [sflag:$0x3], $0x80, s5, s24, $0xb8;
	[tilespmem:$0x1D000] =	vst v63  }
0x7b: {  	_ =	swait.ge [sflag:s2], $0x4000  }
0x7c: {  	[sflag:s2] =	ssyncset.done $0x0  }
0x7d: {  	[sflag:s2] =	ssyncadd.s32 $0xFFFFC000  }
0x7e: {  	_ =	swait.ge [sflag:s6], $0x4000  }
0x7f: {  	[sflag:s6] =	ssyncset.done $0x0  }
0x80: {  	s5 =	simm.s32 $0x200;
	[sflag:s6] =	ssyncadd.s32 $0xFFFFC000  }
0x81: {  	[tilespmem:s14], [sflag:$0x1] =	stream.indirect.gather [hbm4b:s4+s17], $0x80, s5, s17, $0xb8;
	[tilespmem:$0x1D000] =	vst v63  }
0x82: {  	s5 =	simm.s32 $0x220  }
0x83: {  	[tilespmem:s18], [sflag:$0x1] =	stream.indirect.gather [hbm4b:s4+s17], $0x80, s5, s17, $0xb8;
	[tilespmem:$0x1D000] =	vst v63  }
0x84: {  	s5 =	simm.s32 $0x240  }
0x85: {  	[tilespmem:s20], [sflag:$0x1] =	stream.indirect.gather [hbm4b:s4+s17], $0x80, s5, s17, $0xb8;
	[tilespmem:$0x1D000] =	vst v63  }
0x86: {  	s5 =	simm.s32 $0x260  }
0x87: {  	[tilespmem:s22], [sflag:$0x1] =	stream.indirect.gather [hbm4b:s4+s17], $0x80, s5, s17, $0xb8;
	[tilespmem:$0x1D000] =	vst v63  }
0x88: {  	s5 =	simm.s32 $0x980  }
0x89: {  	[spmem:s1] =	stream.indirect.scatter.add.f32 [tilespmem:s25], [sflag:$0x4], $0x80, s5, s24, $0xb8;
	[tilespmem:$0x1D000] =	vst v63  }
0x8a: {  	_ =	swait.ge [sflag:s12], $0x4000  }
0x8b: {  	[sflag:s12] =	ssyncset.done $0x0  }
0x8c: {  	[sflag:s12] =	ssyncadd.s32 $0xFFFFC000  }
0x8d: {  	_ =	swait.ge [sflag:s23], $0x4000  }
0x8e: {  	[sflag:s23] =	ssyncset.done $0x0  }
0x8f: {  	s5 =	simm.s32 $0x280;
	[sflag:s23] =	ssyncadd.s32 $0xFFFFC000  }
0x90: {  	[tilespmem:s25], [sflag:$0x2] =	stream.indirect.gather [hbm4b:s4+s17], $0x80, s5, s17, $0xb8;
	[tilespmem:$0x1D000] =	vst v63  }
0x91: {  	s5 =	simm.s32 $0x2A0  }
0x92: {  	[tilespmem:s28], [sflag:$0x2] =	stream.indirect.gather [hbm4b:s4+s17], $0x80, s5, s17, $0xb8;
	[tilespmem:$0x1D000] =	vst v63  }
0x93: {  	s5 =	simm.s32 $0x2C0  }
0x94: {  	[tilespmem:s30], [sflag:$0x2] =	stream.indirect.gather [hbm4b:s4+s17], $0x80, s5, s17, $0xb8;
	[tilespmem:$0x1D000] =	vst v63  }
0x95: {  	s5 =	simm.s32 $0x2E0  }
0x96: {  	[tilespmem:s0], [sflag:$0x2] =	stream.indirect.gather [hbm4b:s4+s17], $0x80, s5, s17, $0xb8;
	[tilespmem:$0x1D000] =	vst v63  }
0x97: {  	s5 =	simm.s32 $0xA00  }
0x98: {  	[spmem:s1] =	stream.indirect.scatter.add.f32 [tilespmem:s14], [sflag:$0x3], $0x80, s5, s24, $0xb8;
	[tilespmem:$0x1D000] =	vst v63  }
0x99: {  	_ =	swait.ge [sflag:s2], $0x4000  }
0x9a: {  	[sflag:s2] =	ssyncset.done $0x0  }
0x9b: {  	[sflag:s2] =	ssyncadd.s32 $0xFFFFC000  }
0x9c: {  	_ =	swait.ge [sflag:s6], $0x4000  }
0x9d: {  	[sflag:s6] =	ssyncset.done $0x0  }
0x9e: {  	s5 =	simm.s32 $0x300;
	[sflag:s6] =	ssyncadd.s32 $0xFFFFC000  }
0x9f: {  	[tilespmem:s14], [sflag:$0x1] =	stream.indirect.gather [hbm4b:s4+s17], $0x80, s5, s17, $0xb8;
	[tilespmem:$0x1D000] =	vst v63  }
0xa0: {  	s5 =	simm.s32 $0x320  }
0xa1: {  	[tilespmem:s18], [sflag:$0x1] =	stream.indirect.gather [hbm4b:s4+s17], $0x80, s5, s17, $0xb8;
	[tilespmem:$0x1D000] =	vst v63  }
0xa2: {  	s5 =	simm.s32 $0x340  }
0xa3: {  	[tilespmem:s20], [sflag:$0x1] =	stream.indirect.gather [hbm4b:s4+s17], $0x80, s5, s17, $0xb8;
	[tilespmem:$0x1D000] =	vst v63  }
0xa4: {  	s5 =	simm.s32 $0x360  }
0xa5: {  	[tilespmem:s22], [sflag:$0x1] =	stream.indirect.gather [hbm4b:s4+s17], $0x80, s5, s17, $0xb8;
	[tilespmem:$0x1D000] =	vst v63  }
0xa6: {  	s5 =	simm.s32 $0xA80  }
0xa7: {  	[spmem:s1] =	stream.indirect.scatter.add.f32 [tilespmem:s25], [sflag:$0x4], $0x80, s5, s24, $0xb8;
	[tilespmem:$0x1D000] =	vst v63  }
0xa8: {  	_ =	swait.ge [sflag:s12], $0x4000  }
0xa9: {  	[sflag:s12] =	ssyncset.done $0x0  }
0xaa: {  	[sflag:s12] =	ssyncadd.s32 $0xFFFFC000  }
0xab: {  	_ =	swait.ge [sflag:s23], $0x4000  }
0xac: {  	[sflag:s23] =	ssyncset.done $0x0  }
0xad: {  	s5 =	simm.s32 $0x380;
	[sflag:s23] =	ssyncadd.s32 $0xFFFFC000  }
0xae: {  	[tilespmem:s25], [sflag:$0x2] =	stream.indirect.gather [hbm4b:s4+s17], $0x80, s5, s17, $0xb8;
	[tilespmem:$0x1D000] =	vst v63  }
0xaf: {  	s5 =	simm.s32 $0x3A0  }
0xb0: {  	[tilespmem:s28], [sflag:$0x2] =	stream.indirect.gather [hbm4b:s4+s17], $0x80, s5, s17, $0xb8;
	[tilespmem:$0x1D000] =	vst v63  }
0xb1: {  	s5 =	simm.s32 $0x3C0  }
0xb2: {  	[tilespmem:s30], [sflag:$0x2] =	stream.indirect.gather [hbm4b:s4+s17], $0x80, s5, s17, $0xb8;
	[tilespmem:$0x1D000] =	vst v63  }
0xb3: {  	s5 =	simm.s32 $0x3E0  }
0xb4: {  	[tilespmem:s0], [sflag:$0x2] =	stream.indirect.gather [hbm4b:s4+s17], $0x80, s5, s17, $0xb8;
	[tilespmem:$0x1D000] =	vst v63  }
0xb5: {  	s5 =	simm.s32 $0xB00  }
0xb6: {  	[spmem:s1] =	stream.indirect.scatter.add.f32 [tilespmem:s14], [sflag:$0x3], $0x80, s5, s24, $0xb8;
	[tilespmem:$0x1D000] =	vst v63  }
0xb7: {  	_ =	swait.ge [sflag:s2], $0x4000  }
0xb8: {  	[sflag:s2] =	ssyncset.done $0x0  }
0xb9: {  	[sflag:s2] =	ssyncadd.s32 $0xFFFFC000  }
0xba: {  	_ =	swait.ge [sflag:s6], $0x4000  }
0xbb: {  	[sflag:s6] =	ssyncset.done $0x0  }
0xbc: {  	s5 =	simm.s32 $0x400;
	[sflag:s6] =	ssyncadd.s32 $0xFFFFC000  }
0xbd: {  	[tilespmem:s14], [sflag:$0x1] =	stream.indirect.gather [hbm4b:s4+s17], $0x80, s5, s17, $0xb8;
	[tilespmem:$0x1D000] =	vst v63  }
0xbe: {  	s5 =	simm.s32 $0x420  }
0xbf: {  	[tilespmem:s18], [sflag:$0x1] =	stream.indirect.gather [hbm4b:s4+s17], $0x80, s5, s17, $0xb8;
	[tilespmem:$0x1D000] =	vst v63  }
0xc0: {  	s5 =	simm.s32 $0x440  }
0xc1: {  	[tilespmem:s20], [sflag:$0x1] =	stream.indirect.gather [hbm4b:s4+s17], $0x80, s5, s17, $0xb8;
	[tilespmem:$0x1D000] =	vst v63  }
0xc2: {  	s5 =	simm.s32 $0x460  }
0xc3: {  	[tilespmem:s22], [sflag:$0x1] =	stream.indirect.gather [hbm4b:s4+s17], $0x80, s5, s17, $0xb8;
	[tilespmem:$0x1D000] =	vst v63  }
0xc4: {  	s5 =	simm.s32 $0xB80  }
0xc5: {  	[spmem:s1] =	stream.indirect.scatter.add.f32 [tilespmem:s25], [sflag:$0x4], $0x80, s5, s24, $0xb8;
	[tilespmem:$0x1D000] =	vst v63  }
0xc6: {  	_ =	swait.ge [sflag:s12], $0x4000  }
0xc7: {  	[sflag:s12] =	ssyncset.done $0x0  }
0xc8: {  	[sflag:s12] =	ssyncadd.s32 $0xFFFFC000  }
0xc9: {  	_ =	swait.ge [sflag:s23], $0x4000  }
0xca: {  	[sflag:s23] =	ssyncset.done $0x0  }
0xcb: {  	s5 =	simm.s32 $0x480;
	[sflag:s23] =	ssyncadd.s32 $0xFFFFC000  }
0xcc: {  	[tilespmem:s25], [sflag:$0x2] =	stream.indirect.gather [hbm4b:s4+s17], $0x80, s5, s17, $0xb8;
	[tilespmem:$0x1D000] =	vst v63  }
0xcd: {  	s5 =	simm.s32 $0x4A0  }
0xce: {  	[tilespmem:s28], [sflag:$0x2] =	stream.indirect.gather [hbm4b:s4+s17], $0x80, s5, s17, $0xb8;
	[tilespmem:$0x1D000] =	vst v63  }
0xcf: {  	s5 =	simm.s32 $0x4C0  }
0xd0: {  	[tilespmem:s30], [sflag:$0x2] =	stream.indirect.gather [hbm4b:s4+s17], $0x80, s5, s17, $0xb8;
	[tilespmem:$0x1D000] =	vst v63  }
0xd1: {  	s5 =	simm.s32 $0x4E0  }
0xd2: {  	[tilespmem:s0], [sflag:$0x2] =	stream.indirect.gather [hbm4b:s4+s17], $0x80, s5, s17, $0xb8;
	[tilespmem:$0x1D000] =	vst v63  }
0xd3: {  	s5 =	simm.s32 $0xC00  }
0xd4: {  	[spmem:s1] =	stream.indirect.scatter.add.f32 [tilespmem:s14], [sflag:$0x3], $0x80, s5, s24, $0xb8;
	[tilespmem:$0x1D000] =	vst v63  }
0xd5: {  	_ =	swait.ge [sflag:s2], $0x4000  }
0xd6: {  	[sflag:s2] =	ssyncset.done $0x0  }
0xd7: {  	[sflag:s2] =	ssyncadd.s32 $0xFFFFC000  }
0xd8: {  	_ =	swait.ge [sflag:s6], $0x4000  }
0xd9: {  	[sflag:s6] =	ssyncset.done $0x0  }
0xda: {  	s5 =	simm.s32 $0x500;
	[sflag:s6] =	ssyncadd.s32 $0xFFFFC000  }
0xdb: {  	[tilespmem:s14], [sflag:$0x1] =	stream.indirect.gather [hbm4b:s4+s17], $0x80, s5, s17, $0xb8;
	[tilespmem:$0x1D000] =	vst v63  }
0xdc: {  	s5 =	simm.s32 $0x520  }
0xdd: {  	[tilespmem:s18], [sflag:$0x1] =	stream.indirect.gather [hbm4b:s4+s17], $0x80, s5, s17, $0xb8;
	[tilespmem:$0x1D000] =	vst v63  }
0xde: {  	s5 =	simm.s32 $0x540  }
0xdf: {  	[tilespmem:s20], [sflag:$0x1] =	stream.indirect.gather [hbm4b:s4+s17], $0x80, s5, s17, $0xb8;
	[tilespmem:$0x1D000] =	vst v63  }
0xe0: {  	s5 =	simm.s32 $0x560  }
0xe1: {  	[tilespmem:s22], [sflag:$0x1] =	stream.indirect.gather [hbm4b:s4+s17], $0x80, s5, s17, $0xb8;
	[tilespmem:$0x1D000] =	vst v63  }
0xe2: {  	s5 =	simm.s32 $0xC80  }
0xe3: {  	[spmem:s1] =	stream.indirect.scatter.add.f32 [tilespmem:s25], [sflag:$0x4], $0x80, s5, s24, $0xb8;
	[tilespmem:$0x1D000] =	vst v63  }
0xe4: {  	_ =	swait.ge [sflag:s12], $0x4000  }
0xe5: {  	[sflag:s12] =	ssyncset.done $0x0  }
0xe6: {  	[sflag:s12] =	ssyncadd.s32 $0xFFFFC000  }
0xe7: {  	_ =	swait.ge [sflag:s23], $0x4000  }
0xe8: {  	[sflag:s23] =	ssyncset.done $0x0  }
0xe9: {  	s5 =	simm.s32 $0x580;
	[sflag:s23] =	ssyncadd.s32 $0xFFFFC000  }
0xea: {  	[tilespmem:s25], [sflag:$0x2] =	stream.indirect.gather [hbm4b:s4+s17], $0x80, s5, s17, $0xb8;
	[tilespmem:$0x1D000] =	vst v63  }
0xeb: {  	s5 =	simm.s32 $0x5A0  }
0xec: {  	[tilespmem:s28], [sflag:$0x2] =	stream.indirect.gather [hbm4b:s4+s17], $0x80, s5, s17, $0xb8;
	[tilespmem:$0x1D000] =	vst v63  }
0xed: {  	s5 =	simm.s32 $0x5C0  }
0xee: {  	[tilespmem:s30], [sflag:$0x2] =	stream.indirect.gather [hbm4b:s4+s17], $0x80, s5, s17, $0xb8;
	[tilespmem:$0x1D000] =	vst v63  }
0xef: {  	s5 =	simm.s32 $0x5E0  }
0xf0: {  	[tilespmem:s0], [sflag:$0x2] =	stream.indirect.gather [hbm4b:s4+s17], $0x80, s5, s17, $0xb8;
	[tilespmem:$0x1D000] =	vst v63  }
0xf1: {  	s5 =	simm.s32 $0xD00  }
0xf2: {  	[spmem:s1] =	stream.indirect.scatter.add.f32 [tilespmem:s14], [sflag:$0x3], $0x80, s5, s24, $0xb8;
	[tilespmem:$0x1D000] =	vst v63  }
0xf3: {  	_ =	swait.ge [sflag:s2], $0x4000  }
0xf4: {  	[sflag:s2] =	ssyncset.done $0x0  }
0xf5: {  	[sflag:s2] =	ssyncadd.s32 $0xFFFFC000  }
0xf6: {  	_ =	swait.ge [sflag:s6], $0x4000  }
0xf7: {  	[sflag:s6] =	ssyncset.done $0x0  }
0xf8: {  	s5 =	simm.s32 $0x600;
	[sflag:s6] =	ssyncadd.s32 $0xFFFFC000  }
0xf9: {  	[tilespmem:s14], [sflag:$0x1] =	stream.indirect.gather [hbm4b:s4+s17], $0x80, s5, s17, $0xb8;
	[tilespmem:$0x1D000] =	vst v63  }
0xfa: {  	s5 =	simm.s32 $0x620  }
0xfb: {  	[tilespmem:s18], [sflag:$0x1] =	stream.indirect.gather [hbm4b:s4+s17], $0x80, s5, s17, $0xb8;
	[tilespmem:$0x1D000] =	vst v63  }
0xfc: {  	s5 =	simm.s32 $0x640  }
0xfd: {  	[tilespmem:s20], [sflag:$0x1] =	stream.indirect.gather [hbm4b:s4+s17], $0x80, s5, s17, $0xb8;
	[tilespmem:$0x1D000] =	vst v63  }
0xfe: {  	s5 =	simm.s32 $0x660  }
0xff: {  	[tilespmem:s22], [sflag:$0x1] =	stream.indirect.gather [hbm4b:s4+s17], $0x80, s5, s17, $0xb8;
	[tilespmem:$0x1D000] =	vst v63  }
0x100: {  	s5 =	simm.s32 $0xD80  }
0x101: {  	[spmem:s1] =	stream.indirect.scatter.add.f32 [tilespmem:s25], [sflag:$0x4], $0x80, s5, s24, $0xb8;
	[tilespmem:$0x1D000] =	vst v63  }
0x102: {  	_ =	swait.ge [sflag:s12], $0x4000  }
0x103: {  	[sflag:s12] =	ssyncset.done $0x0  }
0x104: {  	[sflag:s12] =	ssyncadd.s32 $0xFFFFC000  }
0x105: {  	_ =	swait.ge [sflag:s23], $0x4000  }
0x106: {  	[sflag:s23] =	ssyncset.done $0x0  }
0x107: {  	s5 =	simm.s32 $0x680;
	[sflag:s23] =	ssyncadd.s32 $0xFFFFC000  }
0x108: {  	[tilespmem:s25], [sflag:$0x2] =	stream.indirect.gather [hbm4b:s4+s17], $0x80, s5, s17, $0xb8;
	[tilespmem:$0x1D000] =	vst v63  }
0x109: {  	s5 =	simm.s32 $0x6A0  }
0x10a: {  	[tilespmem:s28], [sflag:$0x2] =	stream.indirect.gather [hbm4b:s4+s17], $0x80, s5, s17, $0xb8;
	[tilespmem:$0x1D000] =	vst v63  }
0x10b: {  	s5 =	simm.s32 $0x6C0  }
0x10c: {  	[tilespmem:s30], [sflag:$0x2] =	stream.indirect.gather [hbm4b:s4+s17], $0x80, s5, s17, $0xb8;
	[tilespmem:$0x1D000] =	vst v63  }
0x10d: {  	s5 =	simm.s32 $0x6E0  }
0x10e: {  	[tilespmem:s0], [sflag:$0x2] =	stream.indirect.gather [hbm4b:s4+s17], $0x80, s5, s17, $0xb8;
	[tilespmem:$0x1D000] =	vst v63  }
0x10f: {  	s5 =	simm.s32 $0xE00  }
0x110: {  	[spmem:s1] =	stream.indirect.scatter.add.f32 [tilespmem:s14], [sflag:$0x3], $0x80, s5, s24, $0xb8;
	[tilespmem:$0x1D000] =	vst v63  }
0x111: {  	_ =	swait.ge [sflag:s2], $0x4000  }
0x112: {  	[sflag:s2] =	ssyncset.done $0x0  }
0x113: {  	[sflag:s2] =	ssyncadd.s32 $0xFFFFC000  }
0x114: {  	_ =	swait.ge [sflag:s6], $0x4000  }
0x115: {  	[sflag:s6] =	ssyncset.done $0x0  }
0x116: {  	s5 =	simm.s32 $0x700;
	[sflag:s6] =	ssyncadd.s32 $0xFFFFC000  }
0x117: {  	[tilespmem:s14], [sflag:$0x1] =	stream.indirect.gather [hbm4b:s4+s17], $0x80, s5, s17, $0xb8;
	[tilespmem:$0x1D000] =	vst v63  }
0x118: {  	s5 =	simm.s32 $0x720  }
0x119: {  	[tilespmem:s18], [sflag:$0x1] =	stream.indirect.gather [hbm4b:s4+s17], $0x80, s5, s17, $0xb8;
	[tilespmem:$0x1D000] =	vst v63  }
0x11a: {  	s5 =	simm.s32 $0x740  }
0x11b: {  	[tilespmem:s20], [sflag:$0x1] =	stream.indirect.gather [hbm4b:s4+s17], $0x80, s5, s17, $0xb8;
	[tilespmem:$0x1D000] =	vst v63  }
0x11c: {  	_ = 	snop  }
0x11d: {  	[tilespmem:s22], [sflag:$0x1] =	stream.indirect.gather [hbm4b:s4+s17], $0x80, s19, s17, $0xb8;
	[tilespmem:$0x1D000] =	vst v63  }
0x11e: {  	_ = 	snop  }
0x11f: {  	[spmem:s1] =	stream.indirect.scatter.add.f32 [tilespmem:s25], [sflag:$0x4], $0x80, s21, s24, $0xb8;
	[tilespmem:$0x1D000] =	vst v63  }
0x120: {  	_ =	swait.ge [sflag:s12], $0x4000  }
0x121: {  	[sflag:s12] =	ssyncset.done $0x0  }
0x122: {  	[sflag:s12] =	ssyncadd.s32 $0xFFFFC000  }
0x123: {  	_ =	swait.ge [sflag:s23], $0x4000  }
0x124: {  	[sflag:s23] =	ssyncset.done $0x0  }
0x125: {  	[sflag:s23] =	ssyncadd.s32 $0xFFFFC000  }
0x126: {  	[tilespmem:s25], [sflag:$0x2] =	stream.indirect.gather [hbm4b:s4+s17], $0x80, s26, s17, $0xb8;
	[tilespmem:$0x1D000] =	vst v63  }
0x127: {  	_ = 	snop  }
0x128: {  	[tilespmem:s28], [sflag:$0x2] =	stream.indirect.gather [hbm4b:s4+s17], $0x80, s29, s17, $0xb8;
	[tilespmem:$0x1D000] =	vst v63  }
0x129: {  	_ = 	snop  }
0x12a: {  	[tilespmem:s30], [sflag:$0x2] =	stream.indirect.gather [hbm4b:s4+s17], $0x80, s9, s17, $0xb8;
	[tilespmem:$0x1D000] =	vst v63  }
0x12b: {  	_ = 	snop  }
0x12c: {  	[tilespmem:s0], [sflag:$0x2] =	stream.indirect.gather [hbm4b:s4+s17], $0x80, s10, s17, $0xb8;
	[tilespmem:$0x1D000] =	vst v63  }
0x12d: {  	_ = 	snop  }
0x12e: {  	[spmem:s1] =	stream.indirect.scatter.add.f32 [tilespmem:s14], [sflag:$0x3], $0x80, s11, s24, $0xb8;
	[tilespmem:$0x1D000] =	vst v63  }
0x12f: {  	_ =	swait.ge [sflag:s2], $0x4000  }
0x130: {  	[sflag:s2] =	ssyncset.done $0x0  }
0x131: {  	[sflag:s2] =	ssyncadd.s32 $0xFFFFC000  }
0x132: {  	p1 =	slt.u32 @!p0 s8, $0x8;
	_ =	swait.ge [sflag:s6], $0x4000  }
0x133: {  	p1 =	por p0, !p1;
	[sflag:s6] =	ssyncset.done $0x0  }
.Ltmp1:
0x134: {  	[sflag:s6] =	ssyncadd.s32 $0xFFFFC000;
	(pc) =	sbr.rel @!p1 .LBB2_4-.Ltmp1, $4  }
0x135: {  	[spmem:s1] =	stream.indirect.scatter.add.f32 [tilespmem:s25], [sflag:$0x4], $0x80, s13, s24, $0xb8;
	[tilespmem:$0x1D000] =	vst v63  }
0x136: {  	_ =	swait.ge [sflag:s12], $0x4000  }
0x137: {  	s8 =	sadd.s32 $0x1, s8;
	[sflag:s12] =	ssyncset.done $0x0  }
0x138: {  	s31 =	sadd.s32 $0x100, s31;
	s7 =	sadd.s32 $0x100, s7;
	[sflag:s12] =	ssyncadd.s32 $0xFFFFC000  }
0x139: {  	s7 =	stileid.u32;
	[bflag:$0x0] =	sbarrier.arrive $0xFFFF  }
0x13a: {  	s7 =	sshll.u32 s7, $0x6;
	s9 =	rddreg [dreg:$0x4]  }
0x13b: {  	s31 =	rddreg [dreg:$0x5];
	s7 =	sor.u32 $0x1C05, s7;
	s8 =	sshrl.u32 s9, $0x3  }
0x13c: {  	[hbm:s31], [sflag:s7] =	dma.local [spmem:s8], $0x2800  }
0x13d: {  	_ =	swait.ge [sflag:s15], $0x2800  }
0x13e: {  	s5 =	rddreg [dreg:$0xd]  }
0x13f: {  	s31 =	rddreg [dreg:$0x6];
	s5 =	sadd.s32 $0x1, s5  }
0x140: {  	p1 =	sne.s32 s5, s31  }
.Ltmp2:
0x141: {  	_ = 	snop;
	(pc) =	sbr.rel @p1 .LBB2_1-.Ltmp2, $3  }
0x142: {  	_ =	sdelay $0x1  }
0x143: {  	[sflag:s15] =	ssyncset.done $0x0  }
0x144: {  	[sflag:s15] =	ssyncadd.s32 $0xFFFFD800  }
0x145: {  	_ =	sfence.sel $0x180000  }
0x146: {  	[bflag:$0x0] =	sbarrier.arrive $0xFFFF  }
0x147: {  	_ =	strace $0x9000004A  }
0x148: {  	s0 =	stileid.u32;
	[bflag:$0x2] =	sbarrier.arrive $0xFFFF  }
0x149: {  	p0 =	sne.s32 s0, $0x0;
	s0 =	rddreg [dreg:$0x3]  }
0x14a: {  	s0 =	sadd.s32 @!p0 $0x100000, s0  }
0x14b: {  	[sflag:s0] =	ssyncadd.tile.s32 @!p0 $0x1;
	_ =	shalt  }
.Lfunc_end2:
_tile_overlayer_lowered:
.L_overlay_start_2:
0x14c: {  	(tag) =	ssettag $0x2  }
0x14d: {  	s0 =	rddreg [dreg:$0x0];
	s2 =	stileid.u32  }
0x14e: {  	s1 =	rddreg [dreg:$0x1];
	p0 =	sne.s32 s2, $0x0  }
0x14f: {  	s3 =	rddreg [dreg:$0x2];
	[bflag:$0x3] =	sbarrier.arrive $0xFFFF;
	s2 =	simm.s32 @!p0 $0x1C05  }
0x150: {  	[timem:s3], [sflag:s2] =	dma.local @!p0 [hbm:s0], s1  }
0x151: {  	s0 =	simm.s32 @!p0 $0x5  }
0x152: {  	_ =	swait.ge @!p0 [sflag:s0], s1  }
0x153: {  	s1 =	ssub.s32 @!p0 $0x0, s1;
	[sflag:s0] =	ssyncset.done @!p0 $0x0  }
0x154: {  	[sflag:s0] =	ssyncadd.s32 @!p0 s1  }
0x155: {  	[bflag:$0x3] =	sbarrier.arrive $0xFFFF  }
0x156: {  	_ =	shalt  }

// kernel: kernel.7.cloned.1.call-start
scs
__scs_entry_jumppad:
0x0: {  	(pc) =	sbr.rel $0x88, $3  }
0x1: {  	(tag) =	ssettag $0x0;
	lr =	simm.s32 $0x1  }
0x2: {  	[smem:$0x3F9D] =	sst lr;
	_ =	strace $0xD0000000  }
0x3: {  	_ = 	snop  }
0x4: {  	_ = 	snop  }
0x5: {  	_ = 	snop  }
0x6: {  	_ = 	snop  }
0x7: {  	_ = 	snop  }
__scs_overlays_trampoline_lowered:
0x8: {  	[smem:$0x3FAC] =	sst s0  }
0x9: {  	[smem:$0x3FAD] =	sst s1  }
0xa: {  	[smem:$0x3FAE] =	sst s2  }
0xb: {  	[smem:$0x3FAF] =	sst s3  }
0xc: {  	[smem:$0x3FB0] =	sst s4  }
0xd: {  	[smem:$0x3FB1] =	sst s5  }
0xe: {  	[smem:$0x3FB2] =	sst s6  }
0xf: {  	[smem:$0x3FB3] =	sst s7  }
0x10: {  	[smem:$0x3FB4] =	sst s8  }
0x11: {  	[smem:$0x3FB5] =	sst s9;
	s0 =	simm.s32 @!p0 $0x0  }
0x12: {  	s1 =	sld [smem:$0x3F9B];
	s0 =	simm.s32 @p0 $0x1  }
0x13: {  	[smem:$0x3FB6] =	sst s0;
	s0 =	simm.s32 @!p1 $0x0  }
0x14: {  	s2 =	sld [smem:$0x3F9A];
	s0 =	simm.s32 @p1 $0x1  }
0x15: {  	[smem:$0x3FB7] =	sst s0;
	s0 =	simm.s32 @!p2 $0x0  }
0x16: {  	s3 =	sld [smem:$0x3FDB];
	s0 =	simm.s32 @p2 $0x1  }
0x17: {  	s4 =	simm.s32 $0x1BF5;
	[smem:$0x3FB9] =	sst s0  }
0x18: {  	s0 =	sld [smem:$0x3F9C];
	_ =	swait.ge [sflag:s4], $0x0  }
0x19: {  	s7 =	sld [smem:$0x3F9D]  }
0x1a: {  	s8 =	sadd.s32 $0xFFFFE003, lr  }
0x1b: {  	s9 =	sadd.s32 $0xFFFFFEF7, lr;
	s5 =	simm.s32 $0xFFFFFFFF;
	p2 =	slt.u32 s8, $0xFFFFF086  }
0x1c: {  	p1 =	slt.u32 s9, $0xF7A;
	s5 =	simm.s32 @!p2 $0x0  }
0x1d: {  	s5 =	simm.s32 @p1 $0x1;
	p0 =	seq.s32 s7, s2  }
0x1e: {  	s7 =	smul.u32 @!p0 $0xF7A, s2;
	p2 =	seq.s32 @!p0 s5, $0x0  }
0x1f: {  	s9 =	smul.u32 $0xF7A, s1;
	s8 =	simm.s32 @!p0 $0x1BF5;
	p2 =	por !p2, p0  }
0x20: {  	[sflag:s8] =	ssyncset.s32 @!p0 $0xFFFFF086;
	s6 =	sadd.s32 @!p0 s3, s7;
	s7 =	simm.s32 @!p0 $0x108  }
0x21: {  	s3 =	sadd.s32 s3, s9;
	s6 =	sadd.s32 @!p0 $0x88, s6;
	s7 =	simm.s32 @p2 $0x1082  }
0x22: {  	[simem:s7], [sflag:s8] =	dma.local @!p0 [hbm:s6], $0xF7A  }
0x23: {  	s9 =	sor.u32 $0xD0000000, s2;
	s6 =	simm.s32 $0x108;
	_ =	swait.ge @!p0 [sflag:s8], $0x0  }
0x24: {  	s3 =	sadd.s32 $0x88, s3;
	s6 =	simm.s32 @!p1 $0x1082;
	[sflag:s4] =	ssyncset.s32 $0xFFFFF086  }
0x25: {  	[simem:s6], [sflag:s4] =	dma.local [hbm:s3], $0xF7A  }
0x26: {  	[smem:$0x3F9D] =	sst s1;
	(tag) =	ssettag s2;
	_ =	strace s9  }
0x27: {  	s1 =	sld [smem:$0x3FAD]  }
0x28: {  	s2 =	sld [smem:$0x3FAE]  }
0x29: {  	s4 =	sld [smem:$0x3FB0]  }
0x2a: {  	p0 =	seq.s32 s5, $0x0;
	s5 =	sld [smem:$0x3FB1]  }
0x2b: {  	s6 =	sld [smem:$0x3FB2]  }
0x2c: {  	s7 =	sld [smem:$0x3FB3]  }
0x2d: {  	s3 =	simm.s32 $0x108;
	s8 =	sld [smem:$0x3FB4]  }
0x2e: {  	s3 =	simm.s32 @!p0 $0x1082;
	s9 =	sld [smem:$0x3FB5]  }
0x2f: {  	lr =	sadd.s32 s0, s3;
	s0 =	sld [smem:$0x3FAC]  }
0x30: {  	s3 =	sld [smem:$0x3FAF]  }
0x31: {  	[smem:$0x3FB8] =	sst s10  }
0x32: {  	s10 =	sld [smem:$0x3FB6];
	_ =	sdelay $0x3  }
0x33: {  	p0 =	seq.s32 s10, $0x1;
	s10 =	sld [smem:$0x3FB8];
	_ =	sdelay $0x3  }
0x34: {  	[smem:$0x3FB8] =	sst s10  }
0x35: {  	s10 =	sld [smem:$0x3FB7];
	_ =	sdelay $0x3  }
0x36: {  	p1 =	seq.s32 s10, $0x1;
	s10 =	sld [smem:$0x3FB8];
	_ =	sdelay $0x3  }
0x37: {  	[smem:$0x3FB8] =	sst s10  }
0x38: {  	s10 =	sld [smem:$0x3FB9]  }
0x39: {  	_ = 	snop;
	(pc) =	sbr.ind lr, $3  }
0x3a: {  	_ = 	snop  }
0x3b: {  	_ = 	snop  }
0x3c: {  	p2 =	seq.s32 s10, $0x1;
	s10 =	sld [smem:$0x3FB8]  }
0x3d: {  	_ =	shalt  }
0x3e: {  	_ =	shalt  }
0x3f: {  	_ =	shalt  }
0x40: {  	_ =	shalt  }
0x41: {  	_ =	shalt  }
0x42: {  	_ =	shalt  }
0x43: {  	_ =	shalt  }
0x44: {  	_ =	shalt  }
0x45: {  	_ =	shalt  }
0x46: {  	_ =	shalt  }
0x47: {  	_ =	shalt  }
0x48: {  	_ =	shalt  }
0x49: {  	_ =	shalt  }
0x4a: {  	_ =	shalt  }
0x4b: {  	_ =	shalt  }
0x4c: {  	_ =	shalt  }
0x4d: {  	_ =	shalt  }
0x4e: {  	_ =	shalt  }
0x4f: {  	_ =	shalt  }
0x50: {  	_ =	shalt  }
0x51: {  	_ =	shalt  }
0x52: {  	_ =	shalt  }
0x53: {  	_ =	shalt  }
0x54: {  	_ =	shalt  }
0x55: {  	_ =	shalt  }
0x56: {  	_ =	shalt  }
0x57: {  	_ =	shalt  }
0x58: {  	_ =	shalt  }
0x59: {  	_ =	shalt  }
0x5a: {  	_ =	shalt  }
0x5b: {  	_ =	shalt  }
0x5c: {  	_ =	shalt  }
0x5d: {  	_ =	shalt  }
0x5e: {  	_ =	shalt  }
0x5f: {  	_ =	shalt  }
0x60: {  	_ =	shalt  }
0x61: {  	_ =	shalt  }
0x62: {  	_ =	shalt  }
0x63: {  	_ =	shalt  }
0x64: {  	_ =	shalt  }
0x65: {  	_ =	shalt  }
0x66: {  	_ =	shalt  }
0x67: {  	_ =	shalt  }
0x68: {  	_ =	shalt  }
0x69: {  	_ =	shalt  }
0x6a: {  	_ =	shalt  }
0x6b: {  	_ =	shalt  }
0x6c: {  	_ =	shalt  }
0x6d: {  	_ =	shalt  }
0x6e: {  	_ =	shalt  }
0x6f: {  	_ =	shalt  }
0x70: {  	_ =	shalt  }
0x71: {  	_ =	shalt  }
0x72: {  	_ =	shalt  }
0x73: {  	_ =	shalt  }
0x74: {  	_ =	shalt  }
0x75: {  	_ =	shalt  }
0x76: {  	_ =	shalt  }
0x77: {  	_ =	shalt  }
0x78: {  	_ =	shalt  }
0x79: {  	_ =	shalt  }
0x7a: {  	_ =	shalt  }
0x7b: {  	_ =	shalt  }
0x7c: {  	_ =	shalt  }
0x7d: {  	_ =	shalt  }
0x7e: {  	_ =	shalt  }
0x7f: {  	_ =	shalt  }
0x80: {  	_ =	shalt  }
0x81: {  	_ =	shalt  }
0x82: {  	_ =	shalt  }
0x83: {  	_ =	shalt  }
0x84: {  	_ =	shalt  }
0x85: {  	_ =	shalt  }
0x86: {  	_ =	shalt  }
0x87: {  	_ =	shalt  }
.Lfunc_end0:
.L_simem_size_0:
called_computation_lowered:
.L_overlay_start_0:
0x88: {  	s2 =	sld [smem:$0x3FD9]  }
0x89: {  	s3 =	sld [smem:$0x3FFE];
	_ =	sdelay $0x1  }
0x8a: {  	s1 =	srdreg.scid  }
0x8b: {  	s0 =	sand.u32 $0x1, s1  }
0x8c: {  	s17 =	sshll.u32 s0, $0xA;
	s2 =	sadd.s32 s3, s2  }
0x8d: {  	s2 =	sadd.s32 s2, s17  }
0x8e: {  	[smem:$0x3FC4] =	sst s2  }
0x8f: {  	_ = 	snop  }
0x90: {  	s2 =	sld [smem:$0x3FD0];
	(tm) =	ssettm $0x1  }
0x91: {  	s18 =	sld [smem:$0x3FFB];
	_ =	sdelay $0x3  }
0x92: {  	_ =	strace s18  }
0x93: {  	s3 =	sld [smem:$0x3FFC];
	_ =	sdelay $0x3  }
0x94: {  	_ =	strace s3  }
0x95: {  	s3 =	sld [smem:$0x3FFD];
	_ =	sdelay $0x3  }
0x96: {  	_ =	strace s3  }
0x97: {  	_ =	strace $0x8FFFFFFF  }
0x98: {  	s19 =	sld [smem:$0x3FDB];
	_ =	sdelay $0x1  }
0x99: {  	s4 =	simm.s32 $_scs_section_size  }
0x9a: {  	s5 =	simm.s32 $_size__tile_overlayer_lowered;
	s6 =	simm.s32 $_tile_overlayer_lowered  }
0x9b: {  	s22 =	simm.s32 $0x1BFF;
	s21 =	sshll.u32 s6, $0x1;
	s3 =	sadd.s32 s4, s19  }
0x9c: {  	s7 =	simm.s32 $0x0;
	s20 =	sshll.u32 s5, $0x1;
	s5 =	sadd.s32 s21, s3  }
0x9d: {  	[timem:s7], [sflag:s22] =	dma.local [hbm:s5], s20  }
0x9e: {  	_ =	swait.ge [sflag:s22], s20  }
0x9f: {  	s4 =	ssub.s32 $0x0, s20;
	[sflag:s22] =	ssyncset.done $0x0  }
0xa0: {  	[sflag:s22] =	ssyncadd.s32 s4;
	_ =	sdelay $0x1  }
0xa1: {  	s23 =	simm.s32 $0x1B8B  }
0xa2: {  	_ =	swait.ge [sflag:s23], $0x1  }
0xa3: {  	[sflag:s23] =	ssyncset.done $0x0  }
0xa4: {  	s25 =	simm.s32 $0x1B8E;
	s24 =	sld [smem:$0x3FFE];
	[sflag:s23] =	ssyncadd.s32 $0xFFFFFFFF  }
0xa5: {  	s26 =	simm.s32 $execute0_lowered;
	[smem:$0x3FD2] =	sst s25  }
0xa6: {  	s5 =	sshll.u32 s26, $0x1;
	_ =	strace $0x80000046;
	[dreg:$0x1] =	wrdreg $0xFFFFFFFF  }
0xa7: {  	s28 =	simm.s32 $_size_execute0_lowered;
	s3 =	sadd.s32 s3, s5;
	[dreg:$0x0] =	wrdreg $0x0  }
0xa8: {  	s5 =	sshll.u32 s28, $0x1;
	[dreg:$0x2] =	wrdreg s3  }
0xa9: {  	[dreg:$0x3] =	wrdreg s5  }
0xaa: {  	[dreg:$0x4] =	wrdreg $0xC0  }
0xab: {  	_ =	task [dreg:s7], $0x5FFFF  }
0xac: {  	[dreg:$0x1] =	wrdreg $0xFFFFFFFF  }
0xad: {  	[dreg:$0x0] =	wrdreg $0x60  }
0xae: {  	[dreg:$0x2] =	wrdreg s2  }
0xaf: {  	[dreg:$0x3] =	wrdreg s24  }
0xb0: {  	[dreg:$0x4] =	wrdreg $0x2C800  }
0xb1: {  	[dreg:$0x5] =	wrdreg $0x9  }
0xb2: {  	_ =	task.clear_ibuf [dreg:s7], $0x6FFFF;
	_ =	strace $0x90000046  }
0xb3: {  	s29 =	simm.s32 $0x9;
	_ =	strace $0x80000048  }
0xb4: {  	_ =	swait.ge [sflag:s29], $0x1  }
0xb5: {  	[sflag:s29] =	ssyncadd.s32 $0xFFFFFFFF  }
0xb6: {  	_ =	strace $0x90000048  }
0xb7: {  	_ =	sfence  }
0xb8: {  	s30 =	sld [smem:$0x0];
	_ =	sdelay $0x2  }
0xb9: {  	s31 =	sshll.u32 s1, $0xD;
	s1 =	sshrl.u32 s1, $0x2  }
0xba: {  	s3 =	sand.u32 $0x4000, s31;
	s1 =	sadd.s32 s1, s30  }
0xbb: {  	s0 =	sor.u32 s3, s0;
	s1 =	sshll.u32 s1, $0x11  }
0xbc: {  	s0 =	sor.u32 s1, s0  }
0xbd: {  	s0 =	sadd.s32 $0x8F2B, s0  }
0xbe: {  	[sflag:s0] =	ssyncadd.remote.s32 $0x1  }
0xbf: {  	_ =	sfence.sel $0xFFFF  }
0xc0: {  	[dreg:$0x0] =	wrdreg $0xFFFFFFFF;
	(pc) =	sbr.abs _section_cstart, $3  }
0xc1: {  	[dreg:$0x1] =	wrdreg $0xFFFFFFFF  }
0xc2: {  	_ =	task.clear_ibuf [dreg:s7], $0x2FFFF;
	_ =	strace $0x9FFFFFFF  }
0xc3: {  	(tm) =	ssettm $0x7FFFFFFF  }
tec
execute0_lowered:
.L_overlay_start_1:
0x0: {  	(tag) =	ssettag $0x1  }
0x1: {  	s8 =	rddreg [dreg:$0x0]  }
0x2: {  	s5 =	rddreg [dreg:$0x1]  }
0x3: {  	s0 =	srdreg.scid;
	s2 =	rddreg [dreg:$0x2]  }
0x4: {  	s1 =	stileid.u32;
	s3 =	simm.s32 $0x0;
	s12 =	simm.s32 $0x50  }
0x5: {  	s15 =	simm.s32 $0x0;
	s6 =	sand.u32 $0x1, s0;
	s0 =	rddreg [dreg:$0x3]  }
0x6: {  	s7 =	sshll.u32 s1, $0xA;
	[smem:$0x7FF] =	sst s3;
	s10 =	smul.u32 $0x50, s1  }
0x7: {  	s4 =	smul.u32 $0x2800, s6;
	_ =	strace $0x80000047;
	s11 =	ssub.s32 $0x2, s6  }
0x8: {  	p0 =	seq.s32 s6, $0x0;
	s6 =	sadd.s32 $0x500, s10;
	s29 =	sshrl.u32 s11, $0x1  }
0x9: {  	s9 =	sadd.s32 s4, s7;
	s4 =	sadd.s32 $0xB800, s5;
	s6 =	smov.u32 @p0 s10  }
0xa: {  	s30 =	ssub.s32 s11, s29;
	p0 =	sgt.u32 s1, $0x9;
	s10 =	simm.s32 $0x1  }
0xb: {  	s11 =	simm.s32 $0x400;
	s9 =	sshrl.u32 s9, $0x3;
	s31 =	sshll.u32 s6, $0x4  }
0xc: {  	s13 =	sshll.u32 @!p0 s1, $0x6;
	s9 =	sadd.s32 s9, s5;
	s5 =	sadd.s32 s7, s2  }
0xd: {  	s7 =	smax.u32 s30, $0x1;
	s8 =	sadd.s32 s31, s8;
	s13 =	sor.u32 @!p0 $0x1C01, s13  }
0xe: {  	v0 =	vimm.f32 $0.0e+00;
	v1 =	vimm.f32 $1.000000000e+00;
	s6 =	sadd.s32 $0xBA00, s9;
	s9 =	simm.s32 $0x2C00;
	s14 =	sshrl.u32 @!p0 s5, $0x3  }
.LBB2_1:
0xf: {  	s16 =	simm.s32 $0x70;
	s17 =	simm.s32 $0x3C0  }
.LBB2_2:
0x10: {  	p1 =	sne.s32 s17, $0x9FC0;
	[tilespmem:s16+$0x400] =	vst v0  }
0x11: {  	[tilespmem:s16+$0x390] =	vst v0  }
0x12: {  	[tilespmem:s16+$0x3A0] =	vst v0  }
.Ltmp0:
0x13: {  	[tilespmem:s16+$0x3B0] =	vst v0;
	(pc) =	sbr.rel @p1 .LBB2_2-.Ltmp0, $4  }
0x14: {  	[tilespmem:s16+$0x3C0] =	vst v0  }
0x15: {  	[tilespmem:s16+$0x3D0] =	vst v0  }
0x16: {  	[tilespmem:s16+$0x3E0] =	vst v0  }
0x17: {  	[tilespmem:s16+$0x3F0] =	vst v0;
	s16 =	sshra.s32 s17, $0x2;
	s17 =	sadd.s32 $0x200, s17  }
0x18: {  	[tilespmem:s16+$0x400] =	vst v0  }
0x19: {  	[tilespmem:s16+$0x390] =	vst v0  }
0x1a: {  	[tilespmem:s16+$0x3A0] =	vst v0  }
0x1b: {  	[tilespmem:s16+$0x3B0] =	vst v0  }
0x1c: {  	[tilespmem:s16+$0x3C0] =	vst v0  }
0x1d: {  	[tilespmem:s16+$0x3D0] =	vst v0  }
0x1e: {  	[tilespmem:s16+$0x3E0] =	vst v0  }
0x1f: {  	[tilespmem:s16+$0x3F0] =	vst v0;
	s16 =	simm.s32 @!p0 $0x400  }
0x20: {  	[spmem:s5] =	stream.linear.scatter @!p0 [tilespmem:s16], [sflag:$0x1], $0x400, $0x38;
	[tilespmem:$0x2F00] =	vst v63  }
0x21: {  	s16 =	simm.s32 @!p0 $0x1  }
0x22: {  	_ =	swait.ge @!p0 [sflag:s16], $0x400  }
0x23: {  	[sflag:s16] =	ssyncset.done @!p0 $0x0  }
0x24: {  	[sflag:s16] =	ssyncadd.s32 @!p0 $0xFFFFFC00;
	s16 =	simm.s32 $0x0  }
0x25: {  	[tilespmem:s9], [sflag:$0x1] =	stream.linear.gather [hbm4b:s4+s16], $0x80, $0x38;
	[tilespmem:$0x2F00] =	vst v63  }
0x26: {  	_ =	swait.ge [sflag:s10], $0x80  }
0x27: {  	[sflag:s10] =	ssyncset.done $0x0  }
0x28: {  	[sflag:s10] =	ssyncadd.s32 $0xFFFFFF80  }
.LBB2_4:
0x29: {  	s17 =	sadd.s32 s16, s8  }
0x2a: {  	[tilespmem:s3], [sflag:$0x1] =	stream.linear.gather [hbm4b:s17+s3], $0x400, $0x38;
	[tilespmem:$0x2F00] =	vst v63  }
0x2b: {  	_ =	swait.ge [sflag:s10], $0x400  }
0x2c: {  	[sflag:s10] =	ssyncset.done $0x0  }
0x2d: {  	[sflag:s10] =	ssyncadd.s32 $0xFFFFFC00  }
0x2e: {  	v2 =	vld [tilespmem:$0x0];
	_ =	sdelay $0x7  }
0x2f: {  	[tilespmem:v2+s11+$0x0] =	vst.idx.add.f32.msk $0xffff, v1  }
0x30: {  	v2 =	vld [tilespmem:$0x10];
	_ =	sdelay $0x7  }
0x31: {  	[tilespmem:v2+s11+$0x0] =	vst.idx.add.f32.msk $0xffff, v1  }
0x32: {  	v2 =	vld [tilespmem:$0x20];
	_ =	sdelay $0x7  }
0x33: {  	[tilespmem:v2+s11+$0x0] =	vst.idx.add.f32.msk $0xffff, v1  }
0x34: {  	v2 =	vld [tilespmem:$0x30];
	_ =	sdelay $0x7  }
0x35: {  	[tilespmem:v2+s11+$0x0] =	vst.idx.add.f32.msk $0xffff, v1  }
0x36: {  	v2 =	vld [tilespmem:$0x40];
	_ =	sdelay $0x7  }
0x37: {  	[tilespmem:v2+s11+$0x0] =	vst.idx.add.f32.msk $0xffff, v1  }
0x38: {  	v2 =	vld [tilespmem:$0x50];
	_ =	sdelay $0x7  }
0x39: {  	[tilespmem:v2+s11+$0x0] =	vst.idx.add.f32.msk $0xffff, v1  }
0x3a: {  	v2 =	vld [tilespmem:$0x60];
	_ =	sdelay $0x7  }
0x3b: {  	[tilespmem:v2+s11+$0x0] =	vst.idx.add.f32.msk $0xffff, v1  }
0x3c: {  	v2 =	vld [tilespmem:$0x70];
	_ =	sdelay $0x7  }
0x3d: {  	[tilespmem:v2+s11+$0x0] =	vst.idx.add.f32.msk $0xffff, v1  }
0x3e: {  	v2 =	vld [tilespmem:$0x80];
	_ =	sdelay $0x7  }
0x3f: {  	[tilespmem:v2+s11+$0x0] =	vst.idx.add.f32.msk $0xffff, v1  }
0x40: {  	v2 =	vld [tilespmem:$0x90];
	_ =	sdelay $0x7  }
0x41: {  	[tilespmem:v2+s11+$0x0] =	vst.idx.add.f32.msk $0xffff, v1  }
0x42: {  	v2 =	vld [tilespmem:$0xA0];
	_ =	sdelay $0x7  }
0x43: {  	[tilespmem:v2+s11+$0x0] =	vst.idx.add.f32.msk $0xffff, v1  }
0x44: {  	v2 =	vld [tilespmem:$0xB0];
	_ =	sdelay $0x7  }
0x45: {  	[tilespmem:v2+s11+$0x0] =	vst.idx.add.f32.msk $0xffff, v1  }
0x46: {  	v2 =	vld [tilespmem:$0xC0];
	_ =	sdelay $0x7  }
0x47: {  	[tilespmem:v2+s11+$0x0] =	vst.idx.add.f32.msk $0xffff, v1  }
0x48: {  	v2 =	vld [tilespmem:$0xD0];
	_ =	sdelay $0x7  }
0x49: {  	[tilespmem:v2+s11+$0x0] =	vst.idx.add.f32.msk $0xffff, v1  }
0x4a: {  	v2 =	vld [tilespmem:$0xE0];
	_ =	sdelay $0x7  }
0x4b: {  	[tilespmem:v2+s11+$0x0] =	vst.idx.add.f32.msk $0xffff, v1  }
0x4c: {  	v2 =	vld [tilespmem:$0xF0];
	_ =	sdelay $0x7  }
0x4d: {  	[tilespmem:v2+s11+$0x0] =	vst.idx.add.f32.msk $0xffff, v1  }
0x4e: {  	v2 =	vld [tilespmem:$0x100];
	_ =	sdelay $0x7  }
0x4f: {  	[tilespmem:v2+s11+$0x0] =	vst.idx.add.f32.msk $0xffff, v1  }
0x50: {  	v2 =	vld [tilespmem:$0x110];
	_ =	sdelay $0x7  }
0x51: {  	[tilespmem:v2+s11+$0x0] =	vst.idx.add.f32.msk $0xffff, v1  }
0x52: {  	v2 =	vld [tilespmem:$0x120];
	_ =	sdelay $0x7  }
0x53: {  	[tilespmem:v2+s11+$0x0] =	vst.idx.add.f32.msk $0xffff, v1  }
0x54: {  	v2 =	vld [tilespmem:$0x130];
	_ =	sdelay $0x7  }
0x55: {  	[tilespmem:v2+s11+$0x0] =	vst.idx.add.f32.msk $0xffff, v1  }
0x56: {  	v2 =	vld [tilespmem:$0x140];
	_ =	sdelay $0x7  }
0x57: {  	[tilespmem:v2+s11+$0x0] =	vst.idx.add.f32.msk $0xffff, v1  }
0x58: {  	v2 =	vld [tilespmem:$0x150];
	_ =	sdelay $0x7  }
0x59: {  	[tilespmem:v2+s11+$0x0] =	vst.idx.add.f32.msk $0xffff, v1  }
0x5a: {  	v2 =	vld [tilespmem:$0x160];
	_ =	sdelay $0x7  }
0x5b: {  	[tilespmem:v2+s11+$0x0] =	vst.idx.add.f32.msk $0xffff, v1  }
0x5c: {  	v2 =	vld [tilespmem:$0x170];
	_ =	sdelay $0x7  }
0x5d: {  	[tilespmem:v2+s11+$0x0] =	vst.idx.add.f32.msk $0xffff, v1  }
0x5e: {  	v2 =	vld [tilespmem:$0x180];
	_ =	sdelay $0x7  }
0x5f: {  	[tilespmem:v2+s11+$0x0] =	vst.idx.add.f32.msk $0xffff, v1  }
0x60: {  	v2 =	vld [tilespmem:$0x190];
	_ =	sdelay $0x7  }
0x61: {  	[tilespmem:v2+s11+$0x0] =	vst.idx.add.f32.msk $0xffff, v1  }
0x62: {  	v2 =	vld [tilespmem:$0x1A0];
	_ =	sdelay $0x7  }
0x63: {  	[tilespmem:v2+s11+$0x0] =	vst.idx.add.f32.msk $0xffff, v1  }
0x64: {  	v2 =	vld [tilespmem:$0x1B0];
	_ =	sdelay $0x7  }
0x65: {  	[tilespmem:v2+s11+$0x0] =	vst.idx.add.f32.msk $0xffff, v1  }
0x66: {  	v2 =	vld [tilespmem:$0x1C0];
	_ =	sdelay $0x7  }
0x67: {  	[tilespmem:v2+s11+$0x0] =	vst.idx.add.f32.msk $0xffff, v1  }
0x68: {  	v2 =	vld [tilespmem:$0x1D0];
	_ =	sdelay $0x7  }
0x69: {  	[tilespmem:v2+s11+$0x0] =	vst.idx.add.f32.msk $0xffff, v1  }
0x6a: {  	v2 =	vld [tilespmem:$0x1E0];
	_ =	sdelay $0x7  }
0x6b: {  	[tilespmem:v2+s11+$0x0] =	vst.idx.add.f32.msk $0xffff, v1  }
0x6c: {  	v2 =	vld [tilespmem:$0x1F0];
	_ =	sdelay $0x7  }
0x6d: {  	[tilespmem:v2+s11+$0x0] =	vst.idx.add.f32.msk $0xffff, v1  }
0x6e: {  	v2 =	vld [tilespmem:$0x200];
	_ =	sdelay $0x7  }
0x6f: {  	[tilespmem:v2+s11+$0x0] =	vst.idx.add.f32.msk $0xffff, v1  }
0x70: {  	v2 =	vld [tilespmem:$0x210];
	_ =	sdelay $0x7  }
0x71: {  	[tilespmem:v2+s11+$0x0] =	vst.idx.add.f32.msk $0xffff, v1  }
0x72: {  	v2 =	vld [tilespmem:$0x220];
	_ =	sdelay $0x7  }
0x73: {  	[tilespmem:v2+s11+$0x0] =	vst.idx.add.f32.msk $0xffff, v1  }
0x74: {  	v2 =	vld [tilespmem:$0x230];
	_ =	sdelay $0x7  }
0x75: {  	[tilespmem:v2+s11+$0x0] =	vst.idx.add.f32.msk $0xffff, v1  }
0x76: {  	v2 =	vld [tilespmem:$0x240];
	_ =	sdelay $0x7  }
0x77: {  	[tilespmem:v2+s11+$0x0] =	vst.idx.add.f32.msk $0xffff, v1  }
0x78: {  	v2 =	vld [tilespmem:$0x250];
	_ =	sdelay $0x7  }
0x79: {  	[tilespmem:v2+s11+$0x0] =	vst.idx.add.f32.msk $0xffff, v1  }
0x7a: {  	v2 =	vld [tilespmem:$0x260];
	_ =	sdelay $0x7  }
0x7b: {  	[tilespmem:v2+s11+$0x0] =	vst.idx.add.f32.msk $0xffff, v1  }
0x7c: {  	v2 =	vld [tilespmem:$0x270];
	_ =	sdelay $0x7  }
0x7d: {  	[tilespmem:v2+s11+$0x0] =	vst.idx.add.f32.msk $0xffff, v1  }
0x7e: {  	v2 =	vld [tilespmem:$0x280];
	_ =	sdelay $0x7  }
0x7f: {  	[tilespmem:v2+s11+$0x0] =	vst.idx.add.f32.msk $0xffff, v1  }
0x80: {  	v2 =	vld [tilespmem:$0x290];
	_ =	sdelay $0x7  }
0x81: {  	[tilespmem:v2+s11+$0x0] =	vst.idx.add.f32.msk $0xffff, v1  }
0x82: {  	v2 =	vld [tilespmem:$0x2A0];
	_ =	sdelay $0x7  }
0x83: {  	[tilespmem:v2+s11+$0x0] =	vst.idx.add.f32.msk $0xffff, v1  }
0x84: {  	v2 =	vld [tilespmem:$0x2B0];
	_ =	sdelay $0x7  }
0x85: {  	[tilespmem:v2+s11+$0x0] =	vst.idx.add.f32.msk $0xffff, v1  }
0x86: {  	v2 =	vld [tilespmem:$0x2C0];
	_ =	sdelay $0x7  }
0x87: {  	[tilespmem:v2+s11+$0x0] =	vst.idx.add.f32.msk $0xffff, v1  }
0x88: {  	v2 =	vld [tilespmem:$0x2D0];
	_ =	sdelay $0x7  }
0x89: {  	[tilespmem:v2+s11+$0x0] =	vst.idx.add.f32.msk $0xffff, v1  }
0x8a: {  	v2 =	vld [tilespmem:$0x2E0];
	_ =	sdelay $0x7  }
0x8b: {  	[tilespmem:v2+s11+$0x0] =	vst.idx.add.f32.msk $0xffff, v1  }
0x8c: {  	v2 =	vld [tilespmem:$0x2F0];
	_ =	sdelay $0x7  }
0x8d: {  	[tilespmem:v2+s11+$0x0] =	vst.idx.add.f32.msk $0xffff, v1  }
0x8e: {  	v2 =	vld [tilespmem:$0x300];
	_ =	sdelay $0x7  }
0x8f: {  	[tilespmem:v2+s11+$0x0] =	vst.idx.add.f32.msk $0xffff, v1  }
0x90: {  	v2 =	vld [tilespmem:$0x310];
	_ =	sdelay $0x7  }
0x91: {  	[tilespmem:v2+s11+$0x0] =	vst.idx.add.f32.msk $0xffff, v1  }
0x92: {  	v2 =	vld [tilespmem:$0x320];
	_ =	sdelay $0x7  }
0x93: {  	[tilespmem:v2+s11+$0x0] =	vst.idx.add.f32.msk $0xffff, v1  }
0x94: {  	v2 =	vld [tilespmem:$0x330];
	_ =	sdelay $0x7  }
0x95: {  	[tilespmem:v2+s11+$0x0] =	vst.idx.add.f32.msk $0xffff, v1  }
0x96: {  	v2 =	vld [tilespmem:$0x340];
	_ =	sdelay $0x7  }
0x97: {  	[tilespmem:v2+s11+$0x0] =	vst.idx.add.f32.msk $0xffff, v1  }
0x98: {  	v2 =	vld [tilespmem:$0x350];
	_ =	sdelay $0x7  }
0x99: {  	[tilespmem:v2+s11+$0x0] =	vst.idx.add.f32.msk $0xffff, v1  }
0x9a: {  	v2 =	vld [tilespmem:$0x360];
	_ =	sdelay $0x7  }
0x9b: {  	[tilespmem:v2+s11+$0x0] =	vst.idx.add.f32.msk $0xffff, v1  }
0x9c: {  	v2 =	vld [tilespmem:$0x370];
	_ =	sdelay $0x7  }
0x9d: {  	[tilespmem:v2+s11+$0x0] =	vst.idx.add.f32.msk $0xffff, v1  }
0x9e: {  	v2 =	vld [tilespmem:$0x380];
	_ =	sdelay $0x7  }
0x9f: {  	[tilespmem:v2+s11+$0x0] =	vst.idx.add.f32.msk $0xffff, v1  }
0xa0: {  	v2 =	vld [tilespmem:$0x390];
	_ =	sdelay $0x7  }
0xa1: {  	[tilespmem:v2+s11+$0x0] =	vst.idx.add.f32.msk $0xffff, v1  }
0xa2: {  	v2 =	vld [tilespmem:$0x3A0];
	_ =	sdelay $0x7  }
0xa3: {  	[tilespmem:v2+s11+$0x0] =	vst.idx.add.f32.msk $0xffff, v1  }
0xa4: {  	v2 =	vld [tilespmem:$0x3B0];
	_ =	sdelay $0x7  }
0xa5: {  	[tilespmem:v2+s11+$0x0] =	vst.idx.add.f32.msk $0xffff, v1  }
0xa6: {  	v2 =	vld [tilespmem:$0x3C0];
	_ =	sdelay $0x7  }
0xa7: {  	[tilespmem:v2+s11+$0x0] =	vst.idx.add.f32.msk $0xffff, v1  }
0xa8: {  	v2 =	vld [tilespmem:$0x3D0];
	_ =	sdelay $0x7  }
0xa9: {  	[tilespmem:v2+s11+$0x0] =	vst.idx.add.f32.msk $0xffff, v1  }
0xaa: {  	v2 =	vld [tilespmem:$0x3E0];
	_ =	sdelay $0x7  }
0xab: {  	[tilespmem:v2+s11+$0x0] =	vst.idx.add.f32.msk $0xffff, v1  }
0xac: {  	v2 =	vld [tilespmem:$0x3F0];
	_ =	sdelay $0x2  }
0xad: {  	p1 =	sne.s32 s16, $0x480  }
.Ltmp1:
0xae: {  	_ = 	snop;
	(pc) =	sbr.rel @p1 .LBB2_4-.Ltmp1, $2  }
0xaf: {  	_ =	sdelay $0x2  }
0xb0: {  	s16 =	sadd.s32 $0x80, s16;
	[tilespmem:v2+s11+$0x0] =	vst.idx.add.f32.msk $0xffff, v1  }
0xb1: {  	[bflag:$0x0] =	sbarrier.arrive $0xFFFF  }
0xb2: {  	[spmem:s2] =	stream.indirect.scatter.add.f32 [tilespmem:s11], [sflag:$0x1], $0x80, s9, s12, $0xb8;
	[tilespmem:$0x2F00] =	vst v63  }
0xb3: {  	_ =	swait.ge [sflag:s10], $0x2800  }
0xb4: {  	s15 =	sadd.s32 $0x1, s15;
	[sflag:s10] =	ssyncset.done $0x0  }
0xb5: {  	p1 =	sne.s32 s15, s7;
	[sflag:s10] =	ssyncadd.s32 $0xFFFFD800  }
.Ltmp2:
0xb6: {  	s16 =	simm.s32 @!p0 $0x1;
	[bflag:$0x0] =	sbarrier.arrive $0xFFFF;
	(pc) =	sbr.rel @p1 .LBB2_1-.Ltmp2, $4  }
0xb7: {  	[hbm:s6], [sflag:s13] =	dma.local @!p0 [spmem:s14], $0x80  }
0xb8: {  	_ =	swait.ge @!p0 [sflag:s16], $0x80  }
0xb9: {  	[sflag:s16] =	ssyncset.done @!p0 $0x0  }
0xba: {  	[sflag:s16] =	ssyncadd.s32 @!p0 $0xFFFFFF80  }
0xbb: {  	_ =	sfence.sel $0x180000  }
0xbc: {  	[bflag:$0x0] =	sbarrier.arrive $0xFFFF  }
0xbd: {  	p0 =	sne.s32 s1, $0x0;
	_ =	strace $0x90000047  }
0xbe: {  	s0 =	sadd.s32 @!p0 $0x100000, s0;
	[bflag:$0x2] =	sbarrier.arrive $0xFFFF  }
0xbf: {  	[sflag:s0] =	ssyncadd.tile.s32 @!p0 $0x1;
	_ =	shalt  }
.Lfunc_end2:
_tile_overlayer_lowered:
.L_overlay_start_2:
0xc0: {  	(tag) =	ssettag $0x2  }
0xc1: {  	s0 =	rddreg [dreg:$0x0];
	s2 =	stileid.u32  }
0xc2: {  	s1 =	rddreg [dreg:$0x1];
	p0 =	sne.s32 s2, $0x0  }
0xc3: {  	s3 =	rddreg [dreg:$0x2];
	[bflag:$0x3] =	sbarrier.arrive $0xFFFF;
	s2 =	simm.s32 @!p0 $0x1C01  }
0xc4: {  	[timem:s3], [sflag:s2] =	dma.local @!p0 [hbm:s0], s1  }
0xc5: {  	s0 =	simm.s32 @!p0 $0x1  }
0xc6: {  	_ =	swait.ge @!p0 [sflag:s0], s1  }
0xc7: {  	s1 =	ssub.s32 @!p0 $0x0, s1;
	[sflag:s0] =	ssyncset.done @!p0 $0x0  }
0xc8: {  	[sflag:s0] =	ssyncadd.s32 @!p0 s1  }
0xc9: {  	[bflag:$0x3] =	sbarrier.arrive $0xFFFF  }
0xca: {  	_ =	shalt  }

</sc_bundles>
